<compile_context>
chip_gen: v7x
topology: tpu7x:2x2x1
jax: 0.10.2.dev20260603
libtpu: 0.0.44.dev20260713+nightly
codegen_flags: <defaults>
</compile_context>

<pallas_src>
import functools

import jax
import jax.numpy as jnp
from jax import lax
from jax.experimental import pallas as pl
from jax.experimental.pallas import tpu as pltpu
from jax.experimental.pallas import tpu_sc as plsc



def _dense_first_body(x_ref, w_ref, ws_ref, b_ref, y_ref, self_ref):
    x = x_ref[...]
    y_ref[0, :, :] = jnp.dot(x, w_ref[0, :, :], preferred_element_type=jnp.float32)
    y_ref[1, :, :] = jnp.dot(x, w_ref[1, :, :], preferred_element_type=jnp.float32)
    self_ref[...] = (
        jnp.dot(x, ws_ref[...], preferred_element_type=jnp.float32) + b_ref[...]
    )


def _dense_first(x, w, ws, b):
    n = x.shape[0]
    h = w.shape[2]
    return pl.pallas_call(
        _dense_first_body,
        out_shape=[
            jax.ShapeDtypeStruct((2, n, h), jnp.float32),
            jax.ShapeDtypeStruct((n, h), jnp.float32),
        ],
    )(x, w, ws, b)


def _make_dense_mid(n):
    def body(p_ref, sp_ref, w_ref, ws_ref, b_ref, y_ref, self_ref):
        hidden = p_ref[0, :n, :] + p_ref[1, :n, :] + sp_ref[...]
        hidden = jnp.maximum(hidden, 0.0)
        y_ref[0, :, :] = jnp.dot(hidden, w_ref[0, :, :], preferred_element_type=jnp.float32)
        y_ref[1, :, :] = jnp.dot(hidden, w_ref[1, :, :], preferred_element_type=jnp.float32)
        self_ref[...] = (
            jnp.dot(hidden, ws_ref[...], preferred_element_type=jnp.float32) + b_ref[...]
        )

    def call(p, sp, w, ws, b):
        h = w.shape[2]
        return pl.pallas_call(
            body,
            out_shape=[
                jax.ShapeDtypeStruct((2, n, h), jnp.float32),
                jax.ShapeDtypeStruct((n, h), jnp.float32),
            ],
        )(p, sp, w, ws, b)

    return call


def _make_final(n):
    def body(p_ref, sp_ref, cc_ref, ms_ref, o_ref):
        h = p_ref[0, :n, :] + p_ref[1, :n, :] + sp_ref[...]
        h2 = h[:, :2]
        hmin = jnp.min(h2)
        cc = cc_ref[...]
        ms = ms_ref[...]
        upper = cc >= ms - 1
        lower = cc == 0
        fill = hmin - 1.0
        o0 = jnp.where(upper, fill, h2[:, 0:1])
        o1 = jnp.where(lower, fill, h2[:, 1:2])
        o_ref[...] = jnp.concatenate([o0, o1], axis=1)

    def call(p, sp, cc, ms):
        return pl.pallas_call(
            body,
            out_shape=jax.ShapeDtypeStruct((n, 2), jnp.float32),
        )(p, sp, cc, ms)

    return call



def _make_edge_agg(h, nchunk, np_rows):
    rpt = np_rows // 16
    mesh = plsc.VectorSubcoreMesh(core_axis_name="c", subcore_axis_name="s")

    @functools.partial(
        pl.kernel,
        mesh=mesh,
        compiler_params=pltpu.CompilerParams(use_tc_tiling_on_sc=False),
        out_type=jax.ShapeDtypeStruct((2, np_rows, h), jnp.float32),
        scratch_types=[
            pltpu.VMEM((nchunk, 128), jnp.int32),
            pltpu.VMEM((nchunk, 128), jnp.int32),
            pltpu.VMEM((128, h), jnp.float32),
            pltpu.VMEM((rpt, h), jnp.float32),
            pltpu.VMEM_SHARED((np_rows, h), jnp.float32),
            pltpu.SemaphoreType.DMA,
        ],
    )
    def k(y_hbm, g_hbm, d_hbm, z_hbm, out_hbm, gi, di, rows, stage, acc, sem):
        c = lax.axis_index("c")
        s = lax.axis_index("s")
        wid = c * 16 + s
        pltpu.sync_copy(z_hbm.at[pl.ds(s * rpt, rpt)], stage)
        pltpu.sync_copy(stage, acc.at[pl.ds(s * rpt, rpt)])
        pltpu.sync_copy(g_hbm.at[wid], gi)
        pltpu.sync_copy(d_hbm.at[wid], di)
        plsc.subcore_barrier()

        def body(j, carry):
            pltpu.async_copy(y_hbm.at[gi.at[j]], rows, sem).wait()
            pltpu.sync_copy(rows, acc.at[di.at[j]], add=True)
            return carry

        lax.fori_loop(0, nchunk, body, 0)
        plsc.subcore_barrier()
        pltpu.sync_copy(acc.at[pl.ds(s * rpt, rpt)], stage)
        pltpu.sync_copy(stage, out_hbm.at[c, pl.ds(s * rpt, rpt)])

    return k



def kernel(x, edge_index, edge_types, cell_types, max_size,
           W1, Ws1, b1, W2, Ws2, b2, W3, Ws3, b3):
    n, _ = x.shape
    e = edge_index.shape[1]
    h = W1.shape[2]
    h3 = 16
    np_rows = ((n + 16 + 127) // 128) * 128

    nchunk = -(-e // (32 * 128))
    epad = 32 * nchunk * 128

    src = edge_index[0]
    dst = edge_index[1]
    g = src + edge_types * n
    g = jnp.concatenate([g, jnp.zeros((epad - e,), jnp.int32)])
    d = jnp.concatenate([dst, jnp.full((epad - e,), np_rows - 1, jnp.int32)])
    g = g.reshape(32, nchunk, 128)
    d = d.reshape(32, nchunk, 128)

    zeros_h = jnp.zeros((np_rows, h), jnp.float32)
    zeros_3 = jnp.zeros((np_rows, h3), jnp.float32)

    W3p = jnp.zeros((2, h, h3), jnp.float32).at[:, :, :2].set(W3)
    Ws3p = jnp.zeros((h, h3), jnp.float32).at[:, :2].set(Ws3)
    b3p = jnp.zeros((1, h3), jnp.float32).at[:, :2].set(b3)

    agg_h = _make_edge_agg(h, nchunk, np_rows)
    agg_3 = _make_edge_agg(h3, nchunk, np_rows)
    dense_mid = _make_dense_mid(n)
    final = _make_final(n)

    y1, s1 = _dense_first(x, W1, Ws1, b1.reshape(1, h))
    p1 = agg_h(y1.reshape(2 * n, h), g, d, zeros_h)
    y2, s2 = dense_mid(p1, s1, W2, Ws2, b2.reshape(1, h))
    p2 = agg_h(y2.reshape(2 * n, h), g, d, zeros_h)
    y3, s3 = dense_mid(p2, s2, W3p, Ws3p, b3p)
    p3 = agg_3(y3.reshape(2 * n, h3), g, d, zeros_3)
    out = final(p3, s3, cell_types[:, 1:2], max_size.reshape(n, 1))
    return out

# --- scband reference (transcript-rebuilt; emitter-appended) ---
"""Pipeline reference for scband-dqn-7438883356731 (READ-ONLY COPY).

The authoritative reference and input builder live on the scoring server;
editing this copy changes nothing except your own understanding.
"""

import jax, jax.numpy as jnp
import numpy as np

N = 10000
E = 320000
N_STATE = 128
H = 64
OUT = 2

def _rel_conv(x, src, dst, etype, W, Ws, b):
    # DGL-style RelGraphConv with 2 relations, sum aggregation, self-loop and bias
    xs = x[src]
    m0 = xs @ W[0]
    m1 = xs @ W[1]
    msg = jnp.where((etype == 0)[:, None], m0, m1)
    agg = jax.ops.segment_sum(msg, dst, num_segments=N)
    return agg + x @ Ws + b

def setup_inputs(seed: int = 0):
    key = jax.random.key(seed)
    ks = jax.random.split(key, 16)
    x = jax.random.normal(ks[0], (N, N_STATE), dtype=jnp.float32)
    edge_index = jax.random.randint(ks[1], (2, E), 0, N, dtype=jnp.int32)
    edge_types = jax.random.randint(ks[2], (E,), 0, 2, dtype=jnp.int32)
    cell_types = jax.random.randint(ks[3], (N, 2), 0, 8, dtype=jnp.int32)
    max_size = jax.random.randint(ks[4], (N,), 0, 16, dtype=jnp.int32)
    def w(k, shape, fan_in):
        return jax.random.normal(k, shape, dtype=jnp.float32) / np.sqrt(fan_in).astype(np.float32)
    W1 = w(ks[5], (2, N_STATE, H), N_STATE)
    Ws1 = w(ks[6], (N_STATE, H), N_STATE)
    b1 = jnp.zeros((H,), dtype=jnp.float32)
    W2 = w(ks[7], (2, H, H), H)
    Ws2 = w(ks[8], (H, H), H)
    b2 = jnp.zeros((H,), dtype=jnp.float32)
    W3 = w(ks[9], (2, H, OUT), H)
    Ws3 = w(ks[10], (H, OUT), H)
    b3 = jnp.zeros((OUT,), dtype=jnp.float32)
    return {"x": x, "edge_index": edge_index, "edge_types": edge_types, "cell_types": cell_types, "max_size": max_size, "W1": W1, "Ws1": Ws1, "b1": b1, "W2": W2, "Ws2": Ws2, "b2": b2, "W3": W3, "Ws3": Ws3, "b3": b3}

def reference(x, edge_index, edge_types, cell_types, max_size, W1, Ws1, b1, W2, Ws2, b2, W3, Ws3, b3):
    src = edge_index[0]
    dst = edge_index[1]
    h = jax.nn.relu(_rel_conv(x, src, dst, edge_types, W1, Ws1, b1))
    h = jax.nn.relu(_rel_conv(h, src, dst, edge_types, W2, Ws2, b2))
    h = _rel_conv(h, src, dst, edge_types, W3, Ws3, b3)
    upper = cell_types[:, 1] >= (max_size - 1)
    lower = cell_types[:, 1] == 0
    mask = jnp.stack([upper, lower], axis=1)
    out = h * (~mask) + mask * (h.min() - 1.0)
    return out

if __name__ == "__main__":
    import jax
    _d = setup_inputs()
    print(jax.jit(kernel)(*tuple(_d.values())))

</pallas_src>

<mosaic_0001>
#map = affine_map<(d0, d1) -> (0, 0)>
#map1 = affine_map<(d0, d1) -> (0, 0, 0)>
module attributes {stable_mosaic.version = 14 : i64} {
  func.func @k(%arg0: i32, %arg1: i32, %arg2: memref<20000x64xf32, #tpu.memory_space<hbm>>, %arg3: memref<32x79x128xi32, #tpu.memory_space<hbm>>, %arg4: memref<32x79x128xi32, #tpu.memory_space<hbm>>, %arg5: memref<10112x64xf32, #tpu.memory_space<hbm>>, %arg6: memref<2x10112x64xf32, #tpu.memory_space<hbm>>, %arg7: memref<79x128xi32, #tpu.memory_space<vmem>>, %arg8: memref<79x128xi32, #tpu.memory_space<vmem>>, %arg9: memref<128x64xf32, #tpu.memory_space<vmem>>, %arg10: memref<632x64xf32, #tpu.memory_space<vmem>>, %arg11: memref<10112x64xf32, #tpu.memory_space<vmem_shared>>, %arg12: memref<!tpu.dma_semaphore, #tpu.memory_space<semaphore_mem>>) attributes {dimension_semantics = [#tpu.dimension_semantics<core_parallel>, #tpu.dimension_semantics<subcore_parallel>], iteration_bounds = array<i64: 2, 16>, scalar_prefetch = 0 : i64, scratch_operands = 6 : i64, tpu.core_type = #tpu.core_type<sc_vector_subcore>, window_params = [{transform_indices = #map}, {transform_indices = #map1}, {transform_indices = #map1}, {transform_indices = #map}, {transform_indices = #map1}]} {
    %mul3A = arith.constant 16 : i32
    %mul3A_0 = arith.muli %arg0, %mul3A : i32
    %add3A = arith.addi %mul3A_0, %arg1 : i32
    %mul3A_1 = arith.constant 632 : i32
    %mul3A_2 = arith.muli %arg1, %mul3A_1 : i32
    "tpu.region"() ({
      %run_scoped3A = tpu.sem_alloc : memref<!tpu.dma_semaphore, #tpu.memory_space<semaphore_mem>>
      %dma_start3A = arith.constant 0 : i32
      %dma_start3A_15 = tpu.memref_slice %arg5[%mul3A_2, %dma_start3A] : memref<10112x64xf32, #tpu.memory_space<hbm>> -> memref<632x64xf32, #tpu.memory_space<hbm>>
      %dma_start3A_16 = arith.constant 0 : i32
      %dma_start3A_17 = tpu.memref_slice %arg5[%mul3A_2, %dma_start3A_16] : memref<10112x64xf32, #tpu.memory_space<hbm>> -> memref<632x64xf32, #tpu.memory_space<hbm>>
      tpu.enqueue_dma source(%dma_start3A_17 : memref<632x64xf32, #tpu.memory_space<hbm>>) target(%arg10 : memref<632x64xf32, #tpu.memory_space<vmem>>) target_semaphore(%run_scoped3A : memref<!tpu.dma_semaphore, #tpu.memory_space<semaphore_mem>>)
      %dma_wait3A = arith.constant 0 : i32
      %dma_wait3A_18 = tpu.memref_slice %arg5[%mul3A_2, %dma_wait3A] : memref<10112x64xf32, #tpu.memory_space<hbm>> -> memref<632x64xf32, #tpu.memory_space<hbm>>
      %dma_wait3A_19 = arith.constant 0 : i32
      %dma_wait3A_20 = tpu.memref_slice %arg5[%mul3A_2, %dma_wait3A_19] : memref<10112x64xf32, #tpu.memory_space<hbm>> -> memref<632x64xf32, #tpu.memory_space<hbm>>
      tpu.wait_dma2 semaphore(%run_scoped3A : memref<!tpu.dma_semaphore, #tpu.memory_space<semaphore_mem>>) src(%dma_wait3A_20 : memref<632x64xf32, #tpu.memory_space<hbm>>) dst(%arg10 : memref<632x64xf32, #tpu.memory_space<vmem>>)
      tpu.yield
    }) : () -> ()
    %mul3A_3 = arith.constant 632 : i32
    %mul3A_4 = arith.muli %arg1, %mul3A_3 : i32
    "tpu.region"() ({
      %run_scoped3A = tpu.sem_alloc : memref<!tpu.dma_semaphore, #tpu.memory_space<semaphore_mem>>
      %dma_start3A = arith.constant 0 : i32
      %dma_start3A_15 = tpu.memref_slice %arg11[%mul3A_4, %dma_start3A] : memref<10112x64xf32, #tpu.memory_space<vmem_shared>> -> memref<632x64xf32, #tpu.memory_space<vmem_shared>>
      %dma_start3A_16 = arith.constant 0 : i32
      %dma_start3A_17 = tpu.memref_slice %arg11[%mul3A_4, %dma_start3A_16] : memref<10112x64xf32, #tpu.memory_space<vmem_shared>> -> memref<632x64xf32, #tpu.memory_space<vmem_shared>>
      tpu.enqueue_dma source(%arg10 : memref<632x64xf32, #tpu.memory_space<vmem>>) target(%dma_start3A_17 : memref<632x64xf32, #tpu.memory_space<vmem_shared>>) target_semaphore(%run_scoped3A : memref<!tpu.dma_semaphore, #tpu.memory_space<semaphore_mem>>)
      %dma_wait3A = arith.constant 0 : i32
      %dma_wait3A_18 = tpu.memref_slice %arg11[%mul3A_4, %dma_wait3A] : memref<10112x64xf32, #tpu.memory_space<vmem_shared>> -> memref<632x64xf32, #tpu.memory_space<vmem_shared>>
      %dma_wait3A_19 = arith.constant 0 : i32
      %dma_wait3A_20 = tpu.memref_slice %arg11[%mul3A_4, %dma_wait3A_19] : memref<10112x64xf32, #tpu.memory_space<vmem_shared>> -> memref<632x64xf32, #tpu.memory_space<vmem_shared>>
      tpu.wait_dma2 semaphore(%run_scoped3A : memref<!tpu.dma_semaphore, #tpu.memory_space<semaphore_mem>>) src(%arg10 : memref<632x64xf32, #tpu.memory_space<vmem>>) dst(%dma_wait3A_20 : memref<632x64xf32, #tpu.memory_space<vmem_shared>>)
      tpu.yield
    }) : () -> ()
    "tpu.region"() ({
      %run_scoped3A = tpu.sem_alloc : memref<!tpu.dma_semaphore, #tpu.memory_space<semaphore_mem>>
      %dma_start3A = arith.constant 0 : i32
      %dma_start3A_15 = arith.constant 0 : i32
      %dma_start3A_16 = tpu.memref_slice %arg3[%add3A, %dma_start3A, %dma_start3A_15] : memref<32x79x128xi32, #tpu.memory_space<hbm>> -> memref<1x79x128xi32, #tpu.memory_space<hbm>>
      %dma_start3A_17 = tpu.memref_squeeze %dma_start3A_16 : memref<1x79x128xi32, #tpu.memory_space<hbm>> -> memref<79x128xi32, #tpu.memory_space<hbm>>
      %dma_start3A_18 = arith.constant 0 : i32
      %dma_start3A_19 = arith.constant 0 : i32
      %dma_start3A_20 = tpu.memref_slice %arg3[%add3A, %dma_start3A_18, %dma_start3A_19] : memref<32x79x128xi32, #tpu.memory_space<hbm>> -> memref<1x79x128xi32, #tpu.memory_space<hbm>>
      %dma_start3A_21 = tpu.memref_squeeze %dma_start3A_20 : memref<1x79x128xi32, #tpu.memory_space<hbm>> -> memref<79x128xi32, #tpu.memory_space<hbm>>
      tpu.enqueue_dma source(%dma_start3A_21 : memref<79x128xi32, #tpu.memory_space<hbm>>) target(%arg7 : memref<79x128xi32, #tpu.memory_space<vmem>>) target_semaphore(%run_scoped3A : memref<!tpu.dma_semaphore, #tpu.memory_space<semaphore_mem>>)
      %dma_wait3A = arith.constant 0 : i32
      %dma_wait3A_22 = arith.constant 0 : i32
      %dma_wait3A_23 = tpu.memref_slice %arg3[%add3A, %dma_wait3A, %dma_wait3A_22] : memref<32x79x128xi32, #tpu.memory_space<hbm>> -> memref<1x79x128xi32, #tpu.memory_space<hbm>>
      %dma_wait3A_24 = tpu.memref_squeeze %dma_wait3A_23 : memref<1x79x128xi32, #tpu.memory_space<hbm>> -> memref<79x128xi32, #tpu.memory_space<hbm>>
      %dma_wait3A_25 = arith.constant 0 : i32
      %dma_wait3A_26 = arith.constant 0 : i32
      %dma_wait3A_27 = tpu.memref_slice %arg3[%add3A, %dma_wait3A_25, %dma_wait3A_26] : memref<32x79x128xi32, #tpu.memory_space<hbm>> -> memref<1x79x128xi32, #tpu.memory_space<hbm>>
      %dma_wait3A_28 = tpu.memref_squeeze %dma_wait3A_27 : memref<1x79x128xi32, #tpu.memory_space<hbm>> -> memref<79x128xi32, #tpu.memory_space<hbm>>
      tpu.wait_dma2 semaphore(%run_scoped3A : memref<!tpu.dma_semaphore, #tpu.memory_space<semaphore_mem>>) src(%dma_wait3A_28 : memref<79x128xi32, #tpu.memory_space<hbm>>) dst(%arg7 : memref<79x128xi32, #tpu.memory_space<vmem>>)
      tpu.yield
    }) : () -> ()
    "tpu.region"() ({
      %run_scoped3A = tpu.sem_alloc : memref<!tpu.dma_semaphore, #tpu.memory_space<semaphore_mem>>
      %dma_start3A = arith.constant 0 : i32
      %dma_start3A_15 = arith.constant 0 : i32
      %dma_start3A_16 = tpu.memref_slice %arg4[%add3A, %dma_start3A, %dma_start3A_15] : memref<32x79x128xi32, #tpu.memory_space<hbm>> -> memref<1x79x128xi32, #tpu.memory_space<hbm>>
      %dma_start3A_17 = tpu.memref_squeeze %dma_start3A_16 : memref<1x79x128xi32, #tpu.memory_space<hbm>> -> memref<79x128xi32, #tpu.memory_space<hbm>>
      %dma_start3A_18 = arith.constant 0 : i32
      %dma_start3A_19 = arith.constant 0 : i32
      %dma_start3A_20 = tpu.memref_slice %arg4[%add3A, %dma_start3A_18, %dma_start3A_19] : memref<32x79x128xi32, #tpu.memory_space<hbm>> -> memref<1x79x128xi32, #tpu.memory_space<hbm>>
      %dma_start3A_21 = tpu.memref_squeeze %dma_start3A_20 : memref<1x79x128xi32, #tpu.memory_space<hbm>> -> memref<79x128xi32, #tpu.memory_space<hbm>>
      tpu.enqueue_dma source(%dma_start3A_21 : memref<79x128xi32, #tpu.memory_space<hbm>>) target(%arg8 : memref<79x128xi32, #tpu.memory_space<vmem>>) target_semaphore(%run_scoped3A : memref<!tpu.dma_semaphore, #tpu.memory_space<semaphore_mem>>)
      %dma_wait3A = arith.constant 0 : i32
      %dma_wait3A_22 = arith.constant 0 : i32
      %dma_wait3A_23 = tpu.memref_slice %arg4[%add3A, %dma_wait3A, %dma_wait3A_22] : memref<32x79x128xi32, #tpu.memory_space<hbm>> -> memref<1x79x128xi32, #tpu.memory_space<hbm>>
      %dma_wait3A_24 = tpu.memref_squeeze %dma_wait3A_23 : memref<1x79x128xi32, #tpu.memory_space<hbm>> -> memref<79x128xi32, #tpu.memory_space<hbm>>
      %dma_wait3A_25 = arith.constant 0 : i32
      %dma_wait3A_26 = arith.constant 0 : i32
      %dma_wait3A_27 = tpu.memref_slice %arg4[%add3A, %dma_wait3A_25, %dma_wait3A_26] : memref<32x79x128xi32, #tpu.memory_space<hbm>> -> memref<1x79x128xi32, #tpu.memory_space<hbm>>
      %dma_wait3A_28 = tpu.memref_squeeze %dma_wait3A_27 : memref<1x79x128xi32, #tpu.memory_space<hbm>> -> memref<79x128xi32, #tpu.memory_space<hbm>>
      tpu.wait_dma2 semaphore(%run_scoped3A : memref<!tpu.dma_semaphore, #tpu.memory_space<semaphore_mem>>) src(%dma_wait3A_28 : memref<79x128xi32, #tpu.memory_space<hbm>>) dst(%arg8 : memref<79x128xi32, #tpu.memory_space<vmem>>)
      tpu.yield
    }) : () -> ()
    %barrier3A = arith.constant 0 : index
    tpu.barrier barrier_id(%barrier3A)
    %scan3A = arith.constant 0 : i32
    %scan3A_5 = arith.constant 0 : i32
    %scan3A_6 = arith.constant 79 : i32
    %scan3A_7 = arith.addi %scan3A_5, %scan3A_6 : i32
    %scan3A_8 = arith.constant 1 : i32
    scf.for %scan3A_15 = %scan3A_5 to %scan3A_7 step %scan3A_8  : i32 {
      %dma_start3A = arith.constant 0 : i32
      %dma_start3A_16 = tpu.memref_slice %arg7[%scan3A_15, %dma_start3A] : memref<79x128xi32, #tpu.memory_space<vmem>> -> memref<1x128xi32, #tpu.memory_space<vmem>>
      %dma_start3A_17 = tpu.memref_squeeze %dma_start3A_16 : memref<1x128xi32, #tpu.memory_space<vmem>> -> memref<128xi32, #tpu.memory_space<vmem>>
      %dma_start3A_18 = arith.constant 0 : i32
      %dma_start3A_19 = arith.constant 0 : i32
      %dma_start3A_20 = tpu.memref_slice %arg2[%dma_start3A_18, %dma_start3A_19] : memref<20000x64xf32, #tpu.memory_space<hbm>> -> memref<20000x64xf32, #tpu.memory_space<hbm>>
      tpu.enqueue_indirect_dma source(%dma_start3A_20 : memref<20000x64xf32, #tpu.memory_space<hbm>>) target(%arg9 : memref<128x64xf32, #tpu.memory_space<vmem>>) offsets(%dma_start3A_17 : memref<128xi32, #tpu.memory_space<vmem>>) semaphore(%arg12 : memref<!tpu.dma_semaphore, #tpu.memory_space<semaphore_mem>>)
      %dma_wait3A = arith.constant 0 : i32
      %dma_wait3A_21 = tpu.memref_slice %arg7[%scan3A_15, %dma_wait3A] : memref<79x128xi32, #tpu.memory_space<vmem>> -> memref<1x128xi32, #tpu.memory_space<vmem>>
      %dma_wait3A_22 = tpu.memref_squeeze %dma_wait3A_21 : memref<1x128xi32, #tpu.memory_space<vmem>> -> memref<128xi32, #tpu.memory_space<vmem>>
      %dma_wait3A_23 = arith.constant 0 : i32
      %dma_wait3A_24 = arith.constant 0 : i32
      %dma_wait3A_25 = tpu.memref_slice %arg2[%dma_wait3A_23, %dma_wait3A_24] : memref<20000x64xf32, #tpu.memory_space<hbm>> -> memref<20000x64xf32, #tpu.memory_space<hbm>>
      tpu.wait_indirect_dma semaphore(%arg12 : memref<!tpu.dma_semaphore, #tpu.memory_space<semaphore_mem>>) src(%dma_wait3A_25 : memref<20000x64xf32, #tpu.memory_space<hbm>>) dst(%arg9 : memref<128x64xf32, #tpu.memory_space<vmem>>)
      "tpu.region"() ({
        %run_scoped3A = tpu.sem_alloc : memref<!tpu.dma_semaphore, #tpu.memory_space<semaphore_mem>>
        %dma_start3A_26 = arith.constant 0 : i32
        %dma_start3A_27 = tpu.memref_slice %arg8[%scan3A_15, %dma_start3A_26] : memref<79x128xi32, #tpu.memory_space<vmem>> -> memref<1x128xi32, #tpu.memory_space<vmem>>
        %dma_start3A_28 = tpu.memref_squeeze %dma_start3A_27 : memref<1x128xi32, #tpu.memory_space<vmem>> -> memref<128xi32, #tpu.memory_space<vmem>>
        %dma_start3A_29 = arith.constant 0 : i32
        %dma_start3A_30 = arith.constant 0 : i32
        %dma_start3A_31 = tpu.memref_slice %arg11[%dma_start3A_29, %dma_start3A_30] : memref<10112x64xf32, #tpu.memory_space<vmem_shared>> -> memref<10112x64xf32, #tpu.memory_space<vmem_shared>>
        tpu.enqueue_indirect_dma source(%arg9 : memref<128x64xf32, #tpu.memory_space<vmem>>) target(%dma_start3A_31 : memref<10112x64xf32, #tpu.memory_space<vmem_shared>>) offsets(%dma_start3A_28 : memref<128xi32, #tpu.memory_space<vmem>>) semaphore(%run_scoped3A : memref<!tpu.dma_semaphore, #tpu.memory_space<semaphore_mem>>) {add = true}
        %dma_wait3A_32 = arith.constant 0 : i32
        %dma_wait3A_33 = tpu.memref_slice %arg8[%scan3A_15, %dma_wait3A_32] : memref<79x128xi32, #tpu.memory_space<vmem>> -> memref<1x128xi32, #tpu.memory_space<vmem>>
        %dma_wait3A_34 = tpu.memref_squeeze %dma_wait3A_33 : memref<1x128xi32, #tpu.memory_space<vmem>> -> memref<128xi32, #tpu.memory_space<vmem>>
        %dma_wait3A_35 = arith.constant 0 : i32
        %dma_wait3A_36 = arith.constant 0 : i32
        %dma_wait3A_37 = tpu.memref_slice %arg11[%dma_wait3A_35, %dma_wait3A_36] : memref<10112x64xf32, #tpu.memory_space<vmem_shared>> -> memref<10112x64xf32, #tpu.memory_space<vmem_shared>>
        tpu.wait_indirect_dma semaphore(%run_scoped3A : memref<!tpu.dma_semaphore, #tpu.memory_space<semaphore_mem>>) src(%arg9 : memref<128x64xf32, #tpu.memory_space<vmem>>) dst(%dma_wait3A_37 : memref<10112x64xf32, #tpu.memory_space<vmem_shared>>)
        tpu.yield
      }) : () -> ()
    }
    %scan3A_9 = arith.constant 79 : i32
    %barrier3A_10 = arith.constant 0 : index
    tpu.barrier barrier_id(%barrier3A_10)
    %mul3A_11 = arith.constant 632 : i32
    %mul3A_12 = arith.muli %arg1, %mul3A_11 : i32
    "tpu.region"() ({
      %run_scoped3A = tpu.sem_alloc : memref<!tpu.dma_semaphore, #tpu.memory_space<semaphore_mem>>
      %dma_start3A = arith.constant 0 : i32
      %dma_start3A_15 = tpu.memref_slice %arg11[%mul3A_12, %dma_start3A] : memref<10112x64xf32, #tpu.memory_space<vmem_shared>> -> memref<632x64xf32, #tpu.memory_space<vmem_shared>>
      %dma_start3A_16 = arith.constant 0 : i32
      %dma_start3A_17 = tpu.memref_slice %arg11[%mul3A_12, %dma_start3A_16] : memref<10112x64xf32, #tpu.memory_space<vmem_shared>> -> memref<632x64xf32, #tpu.memory_space<vmem_shared>>
      tpu.enqueue_dma source(%dma_start3A_17 : memref<632x64xf32, #tpu.memory_space<vmem_shared>>) target(%arg10 : memref<632x64xf32, #tpu.memory_space<vmem>>) target_semaphore(%run_scoped3A : memref<!tpu.dma_semaphore, #tpu.memory_space<semaphore_mem>>)
      %dma_wait3A = arith.constant 0 : i32
      %dma_wait3A_18 = tpu.memref_slice %arg11[%mul3A_12, %dma_wait3A] : memref<10112x64xf32, #tpu.memory_space<vmem_shared>> -> memref<632x64xf32, #tpu.memory_space<vmem_shared>>
      %dma_wait3A_19 = arith.constant 0 : i32
      %dma_wait3A_20 = tpu.memref_slice %arg11[%mul3A_12, %dma_wait3A_19] : memref<10112x64xf32, #tpu.memory_space<vmem_shared>> -> memref<632x64xf32, #tpu.memory_space<vmem_shared>>
      tpu.wait_dma2 semaphore(%run_scoped3A : memref<!tpu.dma_semaphore, #tpu.memory_space<semaphore_mem>>) src(%dma_wait3A_20 : memref<632x64xf32, #tpu.memory_space<vmem_shared>>) dst(%arg10 : memref<632x64xf32, #tpu.memory_space<vmem>>)
      tpu.yield
    }) : () -> ()
    %mul3A_13 = arith.constant 632 : i32
    %mul3A_14 = arith.muli %arg1, %mul3A_13 : i32
    "tpu.region"() ({
      %run_scoped3A = tpu.sem_alloc : memref<!tpu.dma_semaphore, #tpu.memory_space<semaphore_mem>>
      %dma_start3A = arith.constant 0 : i32
      %dma_start3A_15 = tpu.memref_slice %arg6[%arg0, %mul3A_14, %dma_start3A] : memref<2x10112x64xf32, #tpu.memory_space<hbm>> -> memref<1x632x64xf32, #tpu.memory_space<hbm>>
      %dma_start3A_16 = tpu.memref_squeeze %dma_start3A_15 : memref<1x632x64xf32, #tpu.memory_space<hbm>> -> memref<632x64xf32, #tpu.memory_space<hbm>>
      %dma_start3A_17 = arith.constant 0 : i32
      %dma_start3A_18 = tpu.memref_slice %arg6[%arg0, %mul3A_14, %dma_start3A_17] : memref<2x10112x64xf32, #tpu.memory_space<hbm>> -> memref<1x632x64xf32, #tpu.memory_space<hbm>>
      %dma_start3A_19 = tpu.memref_squeeze %dma_start3A_18 : memref<1x632x64xf32, #tpu.memory_space<hbm>> -> memref<632x64xf32, #tpu.memory_space<hbm>>
      tpu.enqueue_dma source(%arg10 : memref<632x64xf32, #tpu.memory_space<vmem>>) target(%dma_start3A_19 : memref<632x64xf32, #tpu.memory_space<hbm>>) target_semaphore(%run_scoped3A : memref<!tpu.dma_semaphore, #tpu.memory_space<semaphore_mem>>)
      %dma_wait3A = arith.constant 0 : i32
      %dma_wait3A_20 = tpu.memref_slice %arg6[%arg0, %mul3A_14, %dma_wait3A] : memref<2x10112x64xf32, #tpu.memory_space<hbm>> -> memref<1x632x64xf32, #tpu.memory_space<hbm>>
      %dma_wait3A_21 = tpu.memref_squeeze %dma_wait3A_20 : memref<1x632x64xf32, #tpu.memory_space<hbm>> -> memref<632x64xf32, #tpu.memory_space<hbm>>
      %dma_wait3A_22 = arith.constant 0 : i32
      %dma_wait3A_23 = tpu.memref_slice %arg6[%arg0, %mul3A_14, %dma_wait3A_22] : memref<2x10112x64xf32, #tpu.memory_space<hbm>> -> memref<1x632x64xf32, #tpu.memory_space<hbm>>
      %dma_wait3A_24 = tpu.memref_squeeze %dma_wait3A_23 : memref<1x632x64xf32, #tpu.memory_space<hbm>> -> memref<632x64xf32, #tpu.memory_space<hbm>>
      tpu.wait_dma2 semaphore(%run_scoped3A : memref<!tpu.dma_semaphore, #tpu.memory_space<semaphore_mem>>) src(%arg10 : memref<632x64xf32, #tpu.memory_space<vmem>>) dst(%dma_wait3A_24 : memref<632x64xf32, #tpu.memory_space<hbm>>)
      tpu.yield
    }) : () -> ()
    return
  }
}

#map = affine_map<(d0, d1) -> (0, 0)>
#map1 = affine_map<(d0, d1) -> (0, 0, 0)>
module attributes {stable_mosaic.version = 14 : i64} {
  func.func @k(%arg0: i32, %arg1: i32, %arg2: memref<20000x64xf32, #tpu.memory_space<hbm>>, %arg3: memref<32x79x128xi32, #tpu.memory_space<hbm>>, %arg4: memref<32x79x128xi32, #tpu.memory_space<hbm>>, %arg5: memref<10112x64xf32, #tpu.memory_space<hbm>>, %arg6: memref<2x10112x64xf32, #tpu.memory_space<hbm>>, %arg7: memref<79x128xi32, #tpu.memory_space<vmem>>, %arg8: memref<79x128xi32, #tpu.memory_space<vmem>>, %arg9: memref<128x64xf32, #tpu.memory_space<vmem>>, %arg10: memref<632x64xf32, #tpu.memory_space<vmem>>, %arg11: memref<10112x64xf32, #tpu.memory_space<vmem_shared>>, %arg12: memref<!tpu.dma_semaphore, #tpu.memory_space<semaphore_mem>>) attributes {dimension_semantics = [#tpu.dimension_semantics<core_parallel>, #tpu.dimension_semantics<subcore_parallel>], iteration_bounds = array<i64: 2, 16>, scalar_prefetch = 0 : i64, scratch_operands = 6 : i64, tpu.core_type = #tpu.core_type<sc_vector_subcore>, window_params = [{transform_indices = #map}, {transform_indices = #map1}, {transform_indices = #map1}, {transform_indices = #map}, {transform_indices = #map1}]} {
    %mul3A = arith.constant 16 : i32
    %mul3A_0 = arith.muli %arg0, %mul3A : i32
    %add3A = arith.addi %mul3A_0, %arg1 : i32
    %mul3A_1 = arith.constant 632 : i32
    %mul3A_2 = arith.muli %arg1, %mul3A_1 : i32
    "tpu.region"() ({
      %run_scoped3A = tpu.sem_alloc : memref<!tpu.dma_semaphore, #tpu.memory_space<semaphore_mem>>
      %dma_start3A = arith.constant 0 : i32
      %dma_start3A_15 = tpu.memref_slice %arg5[%mul3A_2, %dma_start3A] : memref<10112x64xf32, #tpu.memory_space<hbm>> -> memref<632x64xf32, #tpu.memory_space<hbm>>
      %dma_start3A_16 = arith.constant 0 : i32
      %dma_start3A_17 = tpu.memref_slice %arg5[%mul3A_2, %dma_start3A_16] : memref<10112x64xf32, #tpu.memory_space<hbm>> -> memref<632x64xf32, #tpu.memory_space<hbm>>
      tpu.enqueue_dma source(%dma_start3A_17 : memref<632x64xf32, #tpu.memory_space<hbm>>) target(%arg10 : memref<632x64xf32, #tpu.memory_space<vmem>>) target_semaphore(%run_scoped3A : memref<!tpu.dma_semaphore, #tpu.memory_space<semaphore_mem>>)
      %dma_wait3A = arith.constant 0 : i32
      %dma_wait3A_18 = tpu.memref_slice %arg5[%mul3A_2, %dma_wait3A] : memref<10112x64xf32, #tpu.memory_space<hbm>> -> memref<632x64xf32, #tpu.memory_space<hbm>>
      %dma_wait3A_19 = arith.constant 0 : i32
      %dma_wait3A_20 = tpu.memref_slice %arg5[%mul3A_2, %dma_wait3A_19] : memref<10112x64xf32, #tpu.memory_space<hbm>> -> memref<632x64xf32, #tpu.memory_space<hbm>>
      tpu.wait_dma2 semaphore(%run_scoped3A : memref<!tpu.dma_semaphore, #tpu.memory_space<semaphore_mem>>) src(%dma_wait3A_20 : memref<632x64xf32, #tpu.memory_space<hbm>>) dst(%arg10 : memref<632x64xf32, #tpu.memory_space<vmem>>)
      tpu.yield
    }) : () -> ()
    %mul3A_3 = arith.constant 632 : i32
    %mul3A_4 = arith.muli %arg1, %mul3A_3 : i32
    "tpu.region"() ({
      %run_scoped3A = tpu.sem_alloc : memref<!tpu.dma_semaphore, #tpu.memory_space<semaphore_mem>>
      %dma_start3A = arith.constant 0 : i32
      %dma_start3A_15 = tpu.memref_slice %arg11[%mul3A_4, %dma_start3A] : memref<10112x64xf32, #tpu.memory_space<vmem_shared>> -> memref<632x64xf32, #tpu.memory_space<vmem_shared>>
      %dma_start3A_16 = arith.constant 0 : i32
      %dma_start3A_17 = tpu.memref_slice %arg11[%mul3A_4, %dma_start3A_16] : memref<10112x64xf32, #tpu.memory_space<vmem_shared>> -> memref<632x64xf32, #tpu.memory_space<vmem_shared>>
      tpu.enqueue_dma source(%arg10 : memref<632x64xf32, #tpu.memory_space<vmem>>) target(%dma_start3A_17 : memref<632x64xf32, #tpu.memory_space<vmem_shared>>) target_semaphore(%run_scoped3A : memref<!tpu.dma_semaphore, #tpu.memory_space<semaphore_mem>>)
      %dma_wait3A = arith.constant 0 : i32
      %dma_wait3A_18 = tpu.memref_slice %arg11[%mul3A_4, %dma_wait3A] : memref<10112x64xf32, #tpu.memory_space<vmem_shared>> -> memref<632x64xf32, #tpu.memory_space<vmem_shared>>
      %dma_wait3A_19 = arith.constant 0 : i32
      %dma_wait3A_20 = tpu.memref_slice %arg11[%mul3A_4, %dma_wait3A_19] : memref<10112x64xf32, #tpu.memory_space<vmem_shared>> -> memref<632x64xf32, #tpu.memory_space<vmem_shared>>
      tpu.wait_dma2 semaphore(%run_scoped3A : memref<!tpu.dma_semaphore, #tpu.memory_space<semaphore_mem>>) src(%arg10 : memref<632x64xf32, #tpu.memory_space<vmem>>) dst(%dma_wait3A_20 : memref<632x64xf32, #tpu.memory_space<vmem_shared>>)
      tpu.yield
    }) : () -> ()
    "tpu.region"() ({
      %run_scoped3A = tpu.sem_alloc : memref<!tpu.dma_semaphore, #tpu.memory_space<semaphore_mem>>
      %dma_start3A = arith.constant 0 : i32
      %dma_start3A_15 = arith.constant 0 : i32
      %dma_start3A_16 = tpu.memref_slice %arg3[%add3A, %dma_start3A, %dma_start3A_15] : memref<32x79x128xi32, #tpu.memory_space<hbm>> -> memref<1x79x128xi32, #tpu.memory_space<hbm>>
      %dma_start3A_17 = tpu.memref_squeeze %dma_start3A_16 : memref<1x79x128xi32, #tpu.memory_space<hbm>> -> memref<79x128xi32, #tpu.memory_space<hbm>>
      %dma_start3A_18 = arith.constant 0 : i32
      %dma_start3A_19 = arith.constant 0 : i32
      %dma_start3A_20 = tpu.memref_slice %arg3[%add3A, %dma_start3A_18, %dma_start3A_19] : memref<32x79x128xi32, #tpu.memory_space<hbm>> -> memref<1x79x128xi32, #tpu.memory_space<hbm>>
      %dma_start3A_21 = tpu.memref_squeeze %dma_start3A_20 : memref<1x79x128xi32, #tpu.memory_space<hbm>> -> memref<79x128xi32, #tpu.memory_space<hbm>>
      tpu.enqueue_dma source(%dma_start3A_21 : memref<79x128xi32, #tpu.memory_space<hbm>>) target(%arg7 : memref<79x128xi32, #tpu.memory_space<vmem>>) target_semaphore(%run_scoped3A : memref<!tpu.dma_semaphore, #tpu.memory_space<semaphore_mem>>)
      %dma_wait3A = arith.constant 0 : i32
      %dma_wait3A_22 = arith.constant 0 : i32
      %dma_wait3A_23 = tpu.memref_slice %arg3[%add3A, %dma_wait3A, %dma_wait3A_22] : memref<32x79x128xi32, #tpu.memory_space<hbm>> -> memref<1x79x128xi32, #tpu.memory_space<hbm>>
      %dma_wait3A_24 = tpu.memref_squeeze %dma_wait3A_23 : memref<1x79x128xi32, #tpu.memory_space<hbm>> -> memref<79x128xi32, #tpu.memory_space<hbm>>
      %dma_wait3A_25 = arith.constant 0 : i32
      %dma_wait3A_26 = arith.constant 0 : i32
      %dma_wait3A_27 = tpu.memref_slice %arg3[%add3A, %dma_wait3A_25, %dma_wait3A_26] : memref<32x79x128xi32, #tpu.memory_space<hbm>> -> memref<1x79x128xi32, #tpu.memory_space<hbm>>
      %dma_wait3A_28 = tpu.memref_squeeze %dma_wait3A_27 : memref<1x79x128xi32, #tpu.memory_space<hbm>> -> memref<79x128xi32, #tpu.memory_space<hbm>>
      tpu.wait_dma2 semaphore(%run_scoped3A : memref<!tpu.dma_semaphore, #tpu.memory_space<semaphore_mem>>) src(%dma_wait3A_28 : memref<79x128xi32, #tpu.memory_space<hbm>>) dst(%arg7 : memref<79x128xi32, #tpu.memory_space<vmem>>)
      tpu.yield
    }) : () -> ()
    "tpu.region"() ({
      %run_scoped3A = tpu.sem_alloc : memref<!tpu.dma_semaphore, #tpu.memory_space<semaphore_mem>>
      %dma_start3A = arith.constant 0 : i32
      %dma_start3A_15 = arith.constant 0 : i32
      %dma_start3A_16 = tpu.memref_slice %arg4[%add3A, %dma_start3A, %dma_start3A_15] : memref<32x79x128xi32, #tpu.memory_space<hbm>> -> memref<1x79x128xi32, #tpu.memory_space<hbm>>
      %dma_start3A_17 = tpu.memref_squeeze %dma_start3A_16 : memref<1x79x128xi32, #tpu.memory_space<hbm>> -> memref<79x128xi32, #tpu.memory_space<hbm>>
      %dma_start3A_18 = arith.constant 0 : i32
      %dma_start3A_19 = arith.constant 0 : i32
      %dma_start3A_20 = tpu.memref_slice %arg4[%add3A, %dma_start3A_18, %dma_start3A_19] : memref<32x79x128xi32, #tpu.memory_space<hbm>> -> memref<1x79x128xi32, #tpu.memory_space<hbm>>
      %dma_start3A_21 = tpu.memref_squeeze %dma_start3A_20 : memref<1x79x128xi32, #tpu.memory_space<hbm>> -> memref<79x128xi32, #tpu.memory_space<hbm>>
      tpu.enqueue_dma source(%dma_start3A_21 : memref<79x128xi32, #tpu.memory_space<hbm>>) target(%arg8 : memref<79x128xi32, #tpu.memory_space<vmem>>) target_semaphore(%run_scoped3A : memref<!tpu.dma_semaphore, #tpu.memory_space<semaphore_mem>>)
      %dma_wait3A = arith.constant 0 : i32
      %dma_wait3A_22 = arith.constant 0 : i32
      %dma_wait3A_23 = tpu.memref_slice %arg4[%add3A, %dma_wait3A, %dma_wait3A_22] : memref<32x79x128xi32, #tpu.memory_space<hbm>> -> memref<1x79x128xi32, #tpu.memory_space<hbm>>
      %dma_wait3A_24 = tpu.memref_squeeze %dma_wait3A_23 : memref<1x79x128xi32, #tpu.memory_space<hbm>> -> memref<79x128xi32, #tpu.memory_space<hbm>>
      %dma_wait3A_25 = arith.constant 0 : i32
      %dma_wait3A_26 = arith.constant 0 : i32
      %dma_wait3A_27 = tpu.memref_slice %arg4[%add3A, %dma_wait3A_25, %dma_wait3A_26] : memref<32x79x128xi32, #tpu.memory_space<hbm>> -> memref<1x79x128xi32, #tpu.memory_space<hbm>>
      %dma_wait3A_28 = tpu.memref_squeeze %dma_wait3A_27 : memref<1x79x128xi32, #tpu.memory_space<hbm>> -> memref<79x128xi32, #tpu.memory_space<hbm>>
      tpu.wait_dma2 semaphore(%run_scoped3A : memref<!tpu.dma_semaphore, #tpu.memory_space<semaphore_mem>>) src(%dma_wait3A_28 : memref<79x128xi32, #tpu.memory_space<hbm>>) dst(%arg8 : memref<79x128xi32, #tpu.memory_space<vmem>>)
      tpu.yield
    }) : () -> ()
    %barrier3A = arith.constant 0 : index
    tpu.barrier barrier_id(%barrier3A)
    %scan3A = arith.constant 0 : i32
    %scan3A_5 = arith.constant 0 : i32
    %scan3A_6 = arith.constant 79 : i32
    %scan3A_7 = arith.addi %scan3A_5, %scan3A_6 : i32
    %scan3A_8 = arith.constant 1 : i32
    scf.for %scan3A_15 = %scan3A_5 to %scan3A_7 step %scan3A_8  : i32 {
      %dma_start3A = arith.constant 0 : i32
      %dma_start3A_16 = tpu.memref_slice %arg7[%scan3A_15, %dma_start3A] : memref<79x128xi32, #tpu.memory_space<vmem>> -> memref<1x128xi32, #tpu.memory_space<vmem>>
      %dma_start3A_17 = tpu.memref_squeeze %dma_start3A_16 : memref<1x128xi32, #tpu.memory_space<vmem>> -> memref<128xi32, #tpu.memory_space<vmem>>
      %dma_start3A_18 = arith.constant 0 : i32
      %dma_start3A_19 = arith.constant 0 : i32
      %dma_start3A_20 = tpu.memref_slice %arg2[%dma_start3A_18, %dma_start3A_19] : memref<20000x64xf32, #tpu.memory_space<hbm>> -> memref<20000x64xf32, #tpu.memory_space<hbm>>
      tpu.enqueue_indirect_dma source(%dma_start3A_20 : memref<20000x64xf32, #tpu.memory_space<hbm>>) target(%arg9 : memref<128x64xf32, #tpu.memory_space<vmem>>) offsets(%dma_start3A_17 : memref<128xi32, #tpu.memory_space<vmem>>) semaphore(%arg12 : memref<!tpu.dma_semaphore, #tpu.memory_space<semaphore_mem>>)
      %dma_wait3A = arith.constant 0 : i32
      %dma_wait3A_21 = tpu.memref_slice %arg7[%scan3A_15, %dma_wait3A] : memref<79x128xi32, #tpu.memory_space<vmem>> -> memref<1x128xi32, #tpu.memory_space<vmem>>
      %dma_wait3A_22 = tpu.memref_squeeze %dma_wait3A_21 : memref<1x128xi32, #tpu.memory_space<vmem>> -> memref<128xi32, #tpu.memory_space<vmem>>
      %dma_wait3A_23 = arith.constant 0 : i32
      %dma_wait3A_24 = arith.constant 0 : i32
      %dma_wait3A_25 = tpu.memref_slice %arg2[%dma_wait3A_23, %dma_wait3A_24] : memref<20000x64xf32, #tpu.memory_space<hbm>> -> memref<20000x64xf32, #tpu.memory_space<hbm>>
      tpu.wait_indirect_dma semaphore(%arg12 : memref<!tpu.dma_semaphore, #tpu.memory_space<semaphore_mem>>) src(%dma_wait3A_25 : memref<20000x64xf32, #tpu.memory_space<hbm>>) dst(%arg9 : memref<128x64xf32, #tpu.memory_space<vmem>>)
      "tpu.region"() ({
        %run_scoped3A = tpu.sem_alloc : memref<!tpu.dma_semaphore, #tpu.memory_space<semaphore_mem>>
        %dma_start3A_26 = arith.constant 0 : i32
        %dma_start3A_27 = tpu.memref_slice %arg8[%scan3A_15, %dma_start3A_26] : memref<79x128xi32, #tpu.memory_space<vmem>> -> memref<1x128xi32, #tpu.memory_space<vmem>>
        %dma_start3A_28 = tpu.memref_squeeze %dma_start3A_27 : memref<1x128xi32, #tpu.memory_space<vmem>> -> memref<128xi32, #tpu.memory_space<vmem>>
        %dma_start3A_29 = arith.constant 0 : i32
        %dma_start3A_30 = arith.constant 0 : i32
        %dma_start3A_31 = tpu.memref_slice %arg11[%dma_start3A_29, %dma_start3A_30] : memref<10112x64xf32, #tpu.memory_space<vmem_shared>> -> memref<10112x64xf32, #tpu.memory_space<vmem_shared>>
        tpu.enqueue_indirect_dma source(%arg9 : memref<128x64xf32, #tpu.memory_space<vmem>>) target(%dma_start3A_31 : memref<10112x64xf32, #tpu.memory_space<vmem_shared>>) offsets(%dma_start3A_28 : memref<128xi32, #tpu.memory_space<vmem>>) semaphore(%run_scoped3A : memref<!tpu.dma_semaphore, #tpu.memory_space<semaphore_mem>>) {add = true}
        %dma_wait3A_32 = arith.constant 0 : i32
        %dma_wait3A_33 = tpu.memref_slice %arg8[%scan3A_15, %dma_wait3A_32] : memref<79x128xi32, #tpu.memory_space<vmem>> -> memref<1x128xi32, #tpu.memory_space<vmem>>
        %dma_wait3A_34 = tpu.memref_squeeze %dma_wait3A_33 : memref<1x128xi32, #tpu.memory_space<vmem>> -> memref<128xi32, #tpu.memory_space<vmem>>
        %dma_wait3A_35 = arith.constant 0 : i32
        %dma_wait3A_36 = arith.constant 0 : i32
        %dma_wait3A_37 = tpu.memref_slice %arg11[%dma_wait3A_35, %dma_wait3A_36] : memref<10112x64xf32, #tpu.memory_space<vmem_shared>> -> memref<10112x64xf32, #tpu.memory_space<vmem_shared>>
        tpu.wait_indirect_dma semaphore(%run_scoped3A : memref<!tpu.dma_semaphore, #tpu.memory_space<semaphore_mem>>) src(%arg9 : memref<128x64xf32, #tpu.memory_space<vmem>>) dst(%dma_wait3A_37 : memref<10112x64xf32, #tpu.memory_space<vmem_shared>>)
        tpu.yield
      }) : () -> ()
    }
    %scan3A_9 = arith.constant 79 : i32
    %barrier3A_10 = arith.constant 0 : index
    tpu.barrier barrier_id(%barrier3A_10)
    %mul3A_11 = arith.constant 632 : i32
    %mul3A_12 = arith.muli %arg1, %mul3A_11 : i32
    "tpu.region"() ({
      %run_scoped3A = tpu.sem_alloc : memref<!tpu.dma_semaphore, #tpu.memory_space<semaphore_mem>>
      %dma_start3A = arith.constant 0 : i32
      %dma_start3A_15 = tpu.memref_slice %arg11[%mul3A_12, %dma_start3A] : memref<10112x64xf32, #tpu.memory_space<vmem_shared>> -> memref<632x64xf32, #tpu.memory_space<vmem_shared>>
      %dma_start3A_16 = arith.constant 0 : i32
      %dma_start3A_17 = tpu.memref_slice %arg11[%mul3A_12, %dma_start3A_16] : memref<10112x64xf32, #tpu.memory_space<vmem_shared>> -> memref<632x64xf32, #tpu.memory_space<vmem_shared>>
      tpu.enqueue_dma source(%dma_start3A_17 : memref<632x64xf32, #tpu.memory_space<vmem_shared>>) target(%arg10 : memref<632x64xf32, #tpu.memory_space<vmem>>) target_semaphore(%run_scoped3A : memref<!tpu.dma_semaphore, #tpu.memory_space<semaphore_mem>>)
      %dma_wait3A = arith.constant 0 : i32
      %dma_wait3A_18 = tpu.memref_slice %arg11[%mul3A_12, %dma_wait3A] : memref<10112x64xf32, #tpu.memory_space<vmem_shared>> -> memref<632x64xf32, #tpu.memory_space<vmem_shared>>
      %dma_wait3A_19 = arith.constant 0 : i32
      %dma_wait3A_20 = tpu.memref_slice %arg11[%mul3A_12, %dma_wait3A_19] : memref<10112x64xf32, #tpu.memory_space<vmem_shared>> -> memref<632x64xf32, #tpu.memory_space<vmem_shared>>
      tpu.wait_dma2 semaphore(%run_scoped3A : memref<!tpu.dma_semaphore, #tpu.memory_space<semaphore_mem>>) src(%dma_wait3A_20 : memref<632x64xf32, #tpu.memory_space<vmem_shared>>) dst(%arg10 : memref<632x64xf32, #tpu.memory_space<vmem>>)
      tpu.yield
    }) : () -> ()
    %mul3A_13 = arith.constant 632 : i32
    %mul3A_14 = arith.muli %arg1, %mul3A_13 : i32
    "tpu.region"() ({
      %run_scoped3A = tpu.sem_alloc : memref<!tpu.dma_semaphore, #tpu.memory_space<semaphore_mem>>
      %dma_start3A = arith.constant 0 : i32
      %dma_start3A_15 = tpu.memref_slice %arg6[%arg0, %mul3A_14, %dma_start3A] : memref<2x10112x64xf32, #tpu.memory_space<hbm>> -> memref<1x632x64xf32, #tpu.memory_space<hbm>>
      %dma_start3A_16 = tpu.memref_squeeze %dma_start3A_15 : memref<1x632x64xf32, #tpu.memory_space<hbm>> -> memref<632x64xf32, #tpu.memory_space<hbm>>
      %dma_start3A_17 = arith.constant 0 : i32
      %dma_start3A_18 = tpu.memref_slice %arg6[%arg0, %mul3A_14, %dma_start3A_17] : memref<2x10112x64xf32, #tpu.memory_space<hbm>> -> memref<1x632x64xf32, #tpu.memory_space<hbm>>
      %dma_start3A_19 = tpu.memref_squeeze %dma_start3A_18 : memref<1x632x64xf32, #tpu.memory_space<hbm>> -> memref<632x64xf32, #tpu.memory_space<hbm>>
      tpu.enqueue_dma source(%arg10 : memref<632x64xf32, #tpu.memory_space<vmem>>) target(%dma_start3A_19 : memref<632x64xf32, #tpu.memory_space<hbm>>) target_semaphore(%run_scoped3A : memref<!tpu.dma_semaphore, #tpu.memory_space<semaphore_mem>>)
      %dma_wait3A = arith.constant 0 : i32
      %dma_wait3A_20 = tpu.memref_slice %arg6[%arg0, %mul3A_14, %dma_wait3A] : memref<2x10112x64xf32, #tpu.memory_space<hbm>> -> memref<1x632x64xf32, #tpu.memory_space<hbm>>
      %dma_wait3A_21 = tpu.memref_squeeze %dma_wait3A_20 : memref<1x632x64xf32, #tpu.memory_space<hbm>> -> memref<632x64xf32, #tpu.memory_space<hbm>>
      %dma_wait3A_22 = arith.constant 0 : i32
      %dma_wait3A_23 = tpu.memref_slice %arg6[%arg0, %mul3A_14, %dma_wait3A_22] : memref<2x10112x64xf32, #tpu.memory_space<hbm>> -> memref<1x632x64xf32, #tpu.memory_space<hbm>>
      %dma_wait3A_24 = tpu.memref_squeeze %dma_wait3A_23 : memref<1x632x64xf32, #tpu.memory_space<hbm>> -> memref<632x64xf32, #tpu.memory_space<hbm>>
      tpu.wait_dma2 semaphore(%run_scoped3A : memref<!tpu.dma_semaphore, #tpu.memory_space<semaphore_mem>>) src(%arg10 : memref<632x64xf32, #tpu.memory_space<vmem>>) dst(%dma_wait3A_24 : memref<632x64xf32, #tpu.memory_space<hbm>>)
      tpu.yield
    }) : () -> ()
    return
  }
}

#map = affine_map<(d0, d1) -> (0, 0)>
#map1 = affine_map<(d0, d1) -> (0, 0, 0)>
module attributes {stable_mosaic.version = 14 : i64} {
  func.func @k(%arg0: i32, %arg1: i32, %arg2: memref<20000x16xf32, #tpu.memory_space<hbm>>, %arg3: memref<32x79x128xi32, #tpu.memory_space<hbm>>, %arg4: memref<32x79x128xi32, #tpu.memory_space<hbm>>, %arg5: memref<10112x16xf32, #tpu.memory_space<hbm>>, %arg6: memref<2x10112x16xf32, #tpu.memory_space<hbm>>, %arg7: memref<79x128xi32, #tpu.memory_space<vmem>>, %arg8: memref<79x128xi32, #tpu.memory_space<vmem>>, %arg9: memref<128x16xf32, #tpu.memory_space<vmem>>, %arg10: memref<632x16xf32, #tpu.memory_space<vmem>>, %arg11: memref<10112x16xf32, #tpu.memory_space<vmem_shared>>, %arg12: memref<!tpu.dma_semaphore, #tpu.memory_space<semaphore_mem>>) attributes {dimension_semantics = [#tpu.dimension_semantics<core_parallel>, #tpu.dimension_semantics<subcore_parallel>], iteration_bounds = array<i64: 2, 16>, scalar_prefetch = 0 : i64, scratch_operands = 6 : i64, tpu.core_type = #tpu.core_type<sc_vector_subcore>, window_params = [{transform_indices = #map}, {transform_indices = #map1}, {transform_indices = #map1}, {transform_indices = #map}, {transform_indices = #map1}]} {
    %mul3A = arith.constant 16 : i32
    %mul3A_0 = arith.muli %arg0, %mul3A : i32
    %add3A = arith.addi %mul3A_0, %arg1 : i32
    %mul3A_1 = arith.constant 632 : i32
    %mul3A_2 = arith.muli %arg1, %mul3A_1 : i32
    "tpu.region"() ({
      %run_scoped3A = tpu.sem_alloc : memref<!tpu.dma_semaphore, #tpu.memory_space<semaphore_mem>>
      %dma_start3A = arith.constant 0 : i32
      %dma_start3A_15 = tpu.memref_slice %arg5[%mul3A_2, %dma_start3A] : memref<10112x16xf32, #tpu.memory_space<hbm>> -> memref<632x16xf32, #tpu.memory_space<hbm>>
      %dma_start3A_16 = arith.constant 0 : i32
      %dma_start3A_17 = tpu.memref_slice %arg5[%mul3A_2, %dma_start3A_16] : memref<10112x16xf32, #tpu.memory_space<hbm>> -> memref<632x16xf32, #tpu.memory_space<hbm>>
      tpu.enqueue_dma source(%dma_start3A_17 : memref<632x16xf32, #tpu.memory_space<hbm>>) target(%arg10 : memref<632x16xf32, #tpu.memory_space<vmem>>) target_semaphore(%run_scoped3A : memref<!tpu.dma_semaphore, #tpu.memory_space<semaphore_mem>>)
      %dma_wait3A = arith.constant 0 : i32
      %dma_wait3A_18 = tpu.memref_slice %arg5[%mul3A_2, %dma_wait3A] : memref<10112x16xf32, #tpu.memory_space<hbm>> -> memref<632x16xf32, #tpu.memory_space<hbm>>
      %dma_wait3A_19 = arith.constant 0 : i32
      %dma_wait3A_20 = tpu.memref_slice %arg5[%mul3A_2, %dma_wait3A_19] : memref<10112x16xf32, #tpu.memory_space<hbm>> -> memref<632x16xf32, #tpu.memory_space<hbm>>
      tpu.wait_dma2 semaphore(%run_scoped3A : memref<!tpu.dma_semaphore, #tpu.memory_space<semaphore_mem>>) src(%dma_wait3A_20 : memref<632x16xf32, #tpu.memory_space<hbm>>) dst(%arg10 : memref<632x16xf32, #tpu.memory_space<vmem>>)
      tpu.yield
    }) : () -> ()
    %mul3A_3 = arith.constant 632 : i32
    %mul3A_4 = arith.muli %arg1, %mul3A_3 : i32
    "tpu.region"() ({
      %run_scoped3A = tpu.sem_alloc : memref<!tpu.dma_semaphore, #tpu.memory_space<semaphore_mem>>
      %dma_start3A = arith.constant 0 : i32
      %dma_start3A_15 = tpu.memref_slice %arg11[%mul3A_4, %dma_start3A] : memref<10112x16xf32, #tpu.memory_space<vmem_shared>> -> memref<632x16xf32, #tpu.memory_space<vmem_shared>>
      %dma_start3A_16 = arith.constant 0 : i32
      %dma_start3A_17 = tpu.memref_slice %arg11[%mul3A_4, %dma_start3A_16] : memref<10112x16xf32, #tpu.memory_space<vmem_shared>> -> memref<632x16xf32, #tpu.memory_space<vmem_shared>>
      tpu.enqueue_dma source(%arg10 : memref<632x16xf32, #tpu.memory_space<vmem>>) target(%dma_start3A_17 : memref<632x16xf32, #tpu.memory_space<vmem_shared>>) target_semaphore(%run_scoped3A : memref<!tpu.dma_semaphore, #tpu.memory_space<semaphore_mem>>)
      %dma_wait3A = arith.constant 0 : i32
      %dma_wait3A_18 = tpu.memref_slice %arg11[%mul3A_4, %dma_wait3A] : memref<10112x16xf32, #tpu.memory_space<vmem_shared>> -> memref<632x16xf32, #tpu.memory_space<vmem_shared>>
      %dma_wait3A_19 = arith.constant 0 : i32
      %dma_wait3A_20 = tpu.memref_slice %arg11[%mul3A_4, %dma_wait3A_19] : memref<10112x16xf32, #tpu.memory_space<vmem_shared>> -> memref<632x16xf32, #tpu.memory_space<vmem_shared>>
      tpu.wait_dma2 semaphore(%run_scoped3A : memref<!tpu.dma_semaphore, #tpu.memory_space<semaphore_mem>>) src(%arg10 : memref<632x16xf32, #tpu.memory_space<vmem>>) dst(%dma_wait3A_20 : memref<632x16xf32, #tpu.memory_space<vmem_shared>>)
      tpu.yield
    }) : () -> ()
    "tpu.region"() ({
      %run_scoped3A = tpu.sem_alloc : memref<!tpu.dma_semaphore, #tpu.memory_space<semaphore_mem>>
      %dma_start3A = arith.constant 0 : i32
      %dma_start3A_15 = arith.constant 0 : i32
      %dma_start3A_16 = tpu.memref_slice %arg3[%add3A, %dma_start3A, %dma_start3A_15] : memref<32x79x128xi32, #tpu.memory_space<hbm>> -> memref<1x79x128xi32, #tpu.memory_space<hbm>>
      %dma_start3A_17 = tpu.memref_squeeze %dma_start3A_16 : memref<1x79x128xi32, #tpu.memory_space<hbm>> -> memref<79x128xi32, #tpu.memory_space<hbm>>
      %dma_start3A_18 = arith.constant 0 : i32
      %dma_start3A_19 = arith.constant 0 : i32
      %dma_start3A_20 = tpu.memref_slice %arg3[%add3A, %dma_start3A_18, %dma_start3A_19] : memref<32x79x128xi32, #tpu.memory_space<hbm>> -> memref<1x79x128xi32, #tpu.memory_space<hbm>>
      %dma_start3A_21 = tpu.memref_squeeze %dma_start3A_20 : memref<1x79x128xi32, #tpu.memory_space<hbm>> -> memref<79x128xi32, #tpu.memory_space<hbm>>
      tpu.enqueue_dma source(%dma_start3A_21 : memref<79x128xi32, #tpu.memory_space<hbm>>) target(%arg7 : memref<79x128xi32, #tpu.memory_space<vmem>>) target_semaphore(%run_scoped3A : memref<!tpu.dma_semaphore, #tpu.memory_space<semaphore_mem>>)
      %dma_wait3A = arith.constant 0 : i32
      %dma_wait3A_22 = arith.constant 0 : i32
      %dma_wait3A_23 = tpu.memref_slice %arg3[%add3A, %dma_wait3A, %dma_wait3A_22] : memref<32x79x128xi32, #tpu.memory_space<hbm>> -> memref<1x79x128xi32, #tpu.memory_space<hbm>>
      %dma_wait3A_24 = tpu.memref_squeeze %dma_wait3A_23 : memref<1x79x128xi32, #tpu.memory_space<hbm>> -> memref<79x128xi32, #tpu.memory_space<hbm>>
      %dma_wait3A_25 = arith.constant 0 : i32
      %dma_wait3A_26 = arith.constant 0 : i32
      %dma_wait3A_27 = tpu.memref_slice %arg3[%add3A, %dma_wait3A_25, %dma_wait3A_26] : memref<32x79x128xi32, #tpu.memory_space<hbm>> -> memref<1x79x128xi32, #tpu.memory_space<hbm>>
      %dma_wait3A_28 = tpu.memref_squeeze %dma_wait3A_27 : memref<1x79x128xi32, #tpu.memory_space<hbm>> -> memref<79x128xi32, #tpu.memory_space<hbm>>
      tpu.wait_dma2 semaphore(%run_scoped3A : memref<!tpu.dma_semaphore, #tpu.memory_space<semaphore_mem>>) src(%dma_wait3A_28 : memref<79x128xi32, #tpu.memory_space<hbm>>) dst(%arg7 : memref<79x128xi32, #tpu.memory_space<vmem>>)
      tpu.yield
    }) : () -> ()
    "tpu.region"() ({
      %run_scoped3A = tpu.sem_alloc : memref<!tpu.dma_semaphore, #tpu.memory_space<semaphore_mem>>
      %dma_start3A = arith.constant 0 : i32
      %dma_start3A_15 = arith.constant 0 : i32
      %dma_start3A_16 = tpu.memref_slice %arg4[%add3A, %dma_start3A, %dma_start3A_15] : memref<32x79x128xi32, #tpu.memory_space<hbm>> -> memref<1x79x128xi32, #tpu.memory_space<hbm>>
      %dma_start3A_17 = tpu.memref_squeeze %dma_start3A_16 : memref<1x79x128xi32, #tpu.memory_space<hbm>> -> memref<79x128xi32, #tpu.memory_space<hbm>>
      %dma_start3A_18 = arith.constant 0 : i32
      %dma_start3A_19 = arith.constant 0 : i32
      %dma_start3A_20 = tpu.memref_slice %arg4[%add3A, %dma_start3A_18, %dma_start3A_19] : memref<32x79x128xi32, #tpu.memory_space<hbm>> -> memref<1x79x128xi32, #tpu.memory_space<hbm>>
      %dma_start3A_21 = tpu.memref_squeeze %dma_start3A_20 : memref<1x79x128xi32, #tpu.memory_space<hbm>> -> memref<79x128xi32, #tpu.memory_space<hbm>>
      tpu.enqueue_dma source(%dma_start3A_21 : memref<79x128xi32, #tpu.memory_space<hbm>>) target(%arg8 : memref<79x128xi32, #tpu.memory_space<vmem>>) target_semaphore(%run_scoped3A : memref<!tpu.dma_semaphore, #tpu.memory_space<semaphore_mem>>)
      %dma_wait3A = arith.constant 0 : i32
      %dma_wait3A_22 = arith.constant 0 : i32
      %dma_wait3A_23 = tpu.memref_slice %arg4[%add3A, %dma_wait3A, %dma_wait3A_22] : memref<32x79x128xi32, #tpu.memory_space<hbm>> -> memref<1x79x128xi32, #tpu.memory_space<hbm>>
      %dma_wait3A_24 = tpu.memref_squeeze %dma_wait3A_23 : memref<1x79x128xi32, #tpu.memory_space<hbm>> -> memref<79x128xi32, #tpu.memory_space<hbm>>
      %dma_wait3A_25 = arith.constant 0 : i32
      %dma_wait3A_26 = arith.constant 0 : i32
      %dma_wait3A_27 = tpu.memref_slice %arg4[%add3A, %dma_wait3A_25, %dma_wait3A_26] : memref<32x79x128xi32, #tpu.memory_space<hbm>> -> memref<1x79x128xi32, #tpu.memory_space<hbm>>
      %dma_wait3A_28 = tpu.memref_squeeze %dma_wait3A_27 : memref<1x79x128xi32, #tpu.memory_space<hbm>> -> memref<79x128xi32, #tpu.memory_space<hbm>>
      tpu.wait_dma2 semaphore(%run_scoped3A : memref<!tpu.dma_semaphore, #tpu.memory_space<semaphore_mem>>) src(%dma_wait3A_28 : memref<79x128xi32, #tpu.memory_space<hbm>>) dst(%arg8 : memref<79x128xi32, #tpu.memory_space<vmem>>)
      tpu.yield
    }) : () -> ()
    %barrier3A = arith.constant 0 : index
    tpu.barrier barrier_id(%barrier3A)
    %scan3A = arith.constant 0 : i32
    %scan3A_5 = arith.constant 0 : i32
    %scan3A_6 = arith.constant 79 : i32
    %scan3A_7 = arith.addi %scan3A_5, %scan3A_6 : i32
    %scan3A_8 = arith.constant 1 : i32
    scf.for %scan3A_15 = %scan3A_5 to %scan3A_7 step %scan3A_8  : i32 {
      %dma_start3A = arith.constant 0 : i32
      %dma_start3A_16 = tpu.memref_slice %arg7[%scan3A_15, %dma_start3A] : memref<79x128xi32, #tpu.memory_space<vmem>> -> memref<1x128xi32, #tpu.memory_space<vmem>>
      %dma_start3A_17 = tpu.memref_squeeze %dma_start3A_16 : memref<1x128xi32, #tpu.memory_space<vmem>> -> memref<128xi32, #tpu.memory_space<vmem>>
      %dma_start3A_18 = arith.constant 0 : i32
      %dma_start3A_19 = arith.constant 0 : i32
      %dma_start3A_20 = tpu.memref_slice %arg2[%dma_start3A_18, %dma_start3A_19] : memref<20000x16xf32, #tpu.memory_space<hbm>> -> memref<20000x16xf32, #tpu.memory_space<hbm>>
      tpu.enqueue_indirect_dma source(%dma_start3A_20 : memref<20000x16xf32, #tpu.memory_space<hbm>>) target(%arg9 : memref<128x16xf32, #tpu.memory_space<vmem>>) offsets(%dma_start3A_17 : memref<128xi32, #tpu.memory_space<vmem>>) semaphore(%arg12 : memref<!tpu.dma_semaphore, #tpu.memory_space<semaphore_mem>>)
      %dma_wait3A = arith.constant 0 : i32
      %dma_wait3A_21 = tpu.memref_slice %arg7[%scan3A_15, %dma_wait3A] : memref<79x128xi32, #tpu.memory_space<vmem>> -> memref<1x128xi32, #tpu.memory_space<vmem>>
      %dma_wait3A_22 = tpu.memref_squeeze %dma_wait3A_21 : memref<1x128xi32, #tpu.memory_space<vmem>> -> memref<128xi32, #tpu.memory_space<vmem>>
      %dma_wait3A_23 = arith.constant 0 : i32
      %dma_wait3A_24 = arith.constant 0 : i32
      %dma_wait3A_25 = tpu.memref_slice %arg2[%dma_wait3A_23, %dma_wait3A_24] : memref<20000x16xf32, #tpu.memory_space<hbm>> -> memref<20000x16xf32, #tpu.memory_space<hbm>>
      tpu.wait_indirect_dma semaphore(%arg12 : memref<!tpu.dma_semaphore, #tpu.memory_space<semaphore_mem>>) src(%dma_wait3A_25 : memref<20000x16xf32, #tpu.memory_space<hbm>>) dst(%arg9 : memref<128x16xf32, #tpu.memory_space<vmem>>)
      "tpu.region"() ({
        %run_scoped3A = tpu.sem_alloc : memref<!tpu.dma_semaphore, #tpu.memory_space<semaphore_mem>>
        %dma_start3A_26 = arith.constant 0 : i32
        %dma_start3A_27 = tpu.memref_slice %arg8[%scan3A_15, %dma_start3A_26] : memref<79x128xi32, #tpu.memory_space<vmem>> -> memref<1x128xi32, #tpu.memory_space<vmem>>
        %dma_start3A_28 = tpu.memref_squeeze %dma_start3A_27 : memref<1x128xi32, #tpu.memory_space<vmem>> -> memref<128xi32, #tpu.memory_space<vmem>>
        %dma_start3A_29 = arith.constant 0 : i32
        %dma_start3A_30 = arith.constant 0 : i32
        %dma_start3A_31 = tpu.memref_slice %arg11[%dma_start3A_29, %dma_start3A_30] : memref<10112x16xf32, #tpu.memory_space<vmem_shared>> -> memref<10112x16xf32, #tpu.memory_space<vmem_shared>>
        tpu.enqueue_indirect_dma source(%arg9 : memref<128x16xf32, #tpu.memory_space<vmem>>) target(%dma_start3A_31 : memref<10112x16xf32, #tpu.memory_space<vmem_shared>>) offsets(%dma_start3A_28 : memref<128xi32, #tpu.memory_space<vmem>>) semaphore(%run_scoped3A : memref<!tpu.dma_semaphore, #tpu.memory_space<semaphore_mem>>) {add = true}
        %dma_wait3A_32 = arith.constant 0 : i32
        %dma_wait3A_33 = tpu.memref_slice %arg8[%scan3A_15, %dma_wait3A_32] : memref<79x128xi32, #tpu.memory_space<vmem>> -> memref<1x128xi32, #tpu.memory_space<vmem>>
        %dma_wait3A_34 = tpu.memref_squeeze %dma_wait3A_33 : memref<1x128xi32, #tpu.memory_space<vmem>> -> memref<128xi32, #tpu.memory_space<vmem>>
        %dma_wait3A_35 = arith.constant 0 : i32
        %dma_wait3A_36 = arith.constant 0 : i32
        %dma_wait3A_37 = tpu.memref_slice %arg11[%dma_wait3A_35, %dma_wait3A_36] : memref<10112x16xf32, #tpu.memory_space<vmem_shared>> -> memref<10112x16xf32, #tpu.memory_space<vmem_shared>>
        tpu.wait_indirect_dma semaphore(%run_scoped3A : memref<!tpu.dma_semaphore, #tpu.memory_space<semaphore_mem>>) src(%arg9 : memref<128x16xf32, #tpu.memory_space<vmem>>) dst(%dma_wait3A_37 : memref<10112x16xf32, #tpu.memory_space<vmem_shared>>)
        tpu.yield
      }) : () -> ()
    }
    %scan3A_9 = arith.constant 79 : i32
    %barrier3A_10 = arith.constant 0 : index
    tpu.barrier barrier_id(%barrier3A_10)
    %mul3A_11 = arith.constant 632 : i32
    %mul3A_12 = arith.muli %arg1, %mul3A_11 : i32
    "tpu.region"() ({
      %run_scoped3A = tpu.sem_alloc : memref<!tpu.dma_semaphore, #tpu.memory_space<semaphore_mem>>
      %dma_start3A = arith.constant 0 : i32
      %dma_start3A_15 = tpu.memref_slice %arg11[%mul3A_12, %dma_start3A] : memref<10112x16xf32, #tpu.memory_space<vmem_shared>> -> memref<632x16xf32, #tpu.memory_space<vmem_shared>>
      %dma_start3A_16 = arith.constant 0 : i32
      %dma_start3A_17 = tpu.memref_slice %arg11[%mul3A_12, %dma_start3A_16] : memref<10112x16xf32, #tpu.memory_space<vmem_shared>> -> memref<632x16xf32, #tpu.memory_space<vmem_shared>>
      tpu.enqueue_dma source(%dma_start3A_17 : memref<632x16xf32, #tpu.memory_space<vmem_shared>>) target(%arg10 : memref<632x16xf32, #tpu.memory_space<vmem>>) target_semaphore(%run_scoped3A : memref<!tpu.dma_semaphore, #tpu.memory_space<semaphore_mem>>)
      %dma_wait3A = arith.constant 0 : i32
      %dma_wait3A_18 = tpu.memref_slice %arg11[%mul3A_12, %dma_wait3A] : memref<10112x16xf32, #tpu.memory_space<vmem_shared>> -> memref<632x16xf32, #tpu.memory_space<vmem_shared>>
      %dma_wait3A_19 = arith.constant 0 : i32
      %dma_wait3A_20 = tpu.memref_slice %arg11[%mul3A_12, %dma_wait3A_19] : memref<10112x16xf32, #tpu.memory_space<vmem_shared>> -> memref<632x16xf32, #tpu.memory_space<vmem_shared>>
      tpu.wait_dma2 semaphore(%run_scoped3A : memref<!tpu.dma_semaphore, #tpu.memory_space<semaphore_mem>>) src(%dma_wait3A_20 : memref<632x16xf32, #tpu.memory_space<vmem_shared>>) dst(%arg10 : memref<632x16xf32, #tpu.memory_space<vmem>>)
      tpu.yield
    }) : () -> ()
    %mul3A_13 = arith.constant 632 : i32
    %mul3A_14 = arith.muli %arg1, %mul3A_13 : i32
    "tpu.region"() ({
      %run_scoped3A = tpu.sem_alloc : memref<!tpu.dma_semaphore, #tpu.memory_space<semaphore_mem>>
      %dma_start3A = arith.constant 0 : i32
      %dma_start3A_15 = tpu.memref_slice %arg6[%arg0, %mul3A_14, %dma_start3A] : memref<2x10112x16xf32, #tpu.memory_space<hbm>> -> memref<1x632x16xf32, #tpu.memory_space<hbm>>
      %dma_start3A_16 = tpu.memref_squeeze %dma_start3A_15 : memref<1x632x16xf32, #tpu.memory_space<hbm>> -> memref<632x16xf32, #tpu.memory_space<hbm>>
      %dma_start3A_17 = arith.constant 0 : i32
      %dma_start3A_18 = tpu.memref_slice %arg6[%arg0, %mul3A_14, %dma_start3A_17] : memref<2x10112x16xf32, #tpu.memory_space<hbm>> -> memref<1x632x16xf32, #tpu.memory_space<hbm>>
      %dma_start3A_19 = tpu.memref_squeeze %dma_start3A_18 : memref<1x632x16xf32, #tpu.memory_space<hbm>> -> memref<632x16xf32, #tpu.memory_space<hbm>>
      tpu.enqueue_dma source(%arg10 : memref<632x16xf32, #tpu.memory_space<vmem>>) target(%dma_start3A_19 : memref<632x16xf32, #tpu.memory_space<hbm>>) target_semaphore(%run_scoped3A : memref<!tpu.dma_semaphore, #tpu.memory_space<semaphore_mem>>)
      %dma_wait3A = arith.constant 0 : i32
      %dma_wait3A_20 = tpu.memref_slice %arg6[%arg0, %mul3A_14, %dma_wait3A] : memref<2x10112x16xf32, #tpu.memory_space<hbm>> -> memref<1x632x16xf32, #tpu.memory_space<hbm>>
      %dma_wait3A_21 = tpu.memref_squeeze %dma_wait3A_20 : memref<1x632x16xf32, #tpu.memory_space<hbm>> -> memref<632x16xf32, #tpu.memory_space<hbm>>
      %dma_wait3A_22 = arith.constant 0 : i32
      %dma_wait3A_23 = tpu.memref_slice %arg6[%arg0, %mul3A_14, %dma_wait3A_22] : memref<2x10112x16xf32, #tpu.memory_space<hbm>> -> memref<1x632x16xf32, #tpu.memory_space<hbm>>
      %dma_wait3A_24 = tpu.memref_squeeze %dma_wait3A_23 : memref<1x632x16xf32, #tpu.memory_space<hbm>> -> memref<632x16xf32, #tpu.memory_space<hbm>>
      tpu.wait_dma2 semaphore(%run_scoped3A : memref<!tpu.dma_semaphore, #tpu.memory_space<semaphore_mem>>) src(%arg10 : memref<632x16xf32, #tpu.memory_space<vmem>>) dst(%dma_wait3A_24 : memref<632x16xf32, #tpu.memory_space<hbm>>)
      tpu.yield
    }) : () -> ()
    return
  }
}

module attributes {stable_mosaic.version = 14 : i64} {
  func.func @_dense_first_body(%arg0: memref<10000x128xf32, #tpu.memory_space<vmem>>, %arg1: memref<2x128x64xf32, #tpu.memory_space<vmem>>, %arg2: memref<128x64xf32, #tpu.memory_space<vmem>>, %arg3: memref<1x64xf32, #tpu.memory_space<vmem>>, %arg4: memref<2x10000x64xf32, #tpu.memory_space<vmem>>, %arg5: memref<10000x64xf32, #tpu.memory_space<vmem>>) attributes {dimension_semantics = [], scalar_prefetch = 0 : i64, scratch_operands = 0 : i64, tpu.core_type = #tpu.core_type<tc>} {
    %get3A = arith.constant 0 : index
    %get3A_0 = arith.constant 0 : index
    %get3A_1 = vector.load %arg0[%get3A, %get3A_0] : memref<10000x128xf32, #tpu.memory_space<vmem>>, vector<10000x128xf32>
    %get3A_2 = arith.constant 0 : index
    %get3A_3 = arith.constant 0 : index
    %get3A_4 = arith.constant 0 : index
    %get3A_5 = vector.load %arg1[%get3A_2, %get3A_3, %get3A_4] : memref<2x128x64xf32, #tpu.memory_space<vmem>>, vector<1x128x64xf32>
    %get3A_6 = vector.shape_cast %get3A_5 : vector<1x128x64xf32> to vector<128x64xf32>
    %dot_general3A = arith.constant dense<0.000000e+00> : vector<10000x64xf32>
    %dot_general3A_7 = tpu.matmul %get3A_1, %get3A_6, %dot_general3A {dimension_numbers = #tpu.dot_dimension_numbers<[1], [0], [0], [1], [0, 0, 1, 1], [], []>, transpose_lhs_hint = false} : vector<10000x128xf32>, vector<128x64xf32>, vector<10000x64xf32> -> vector<10000x64xf32>
    %swap3A = arith.constant 0 : index
    %swap3A_8 = arith.constant 0 : index
    %swap3A_9 = arith.constant 0 : index
    %swap3A_10 = vector.load %arg4[%swap3A, %swap3A_8, %swap3A_9] : memref<2x10000x64xf32, #tpu.memory_space<vmem>>, vector<1x10000x64xf32>
    %swap3A_11 = vector.shape_cast %swap3A_10 : vector<1x10000x64xf32> to vector<10000x64xf32>
    %swap3A_12 = vector.shape_cast %dot_general3A_7 : vector<10000x64xf32> to vector<1x10000x64xf32>
    tpu.vector_store %arg4[%swap3A, %swap3A_8, %swap3A_9], %swap3A_12 {strides = array<i32>} : memref<2x10000x64xf32, #tpu.memory_space<vmem>>, vector<1x10000x64xf32>,
    %get3A_13 = arith.constant 1 : index
    %get3A_14 = arith.constant 0 : index
    %get3A_15 = arith.constant 0 : index
    %get3A_16 = vector.load %arg1[%get3A_13, %get3A_14, %get3A_15] : memref<2x128x64xf32, #tpu.memory_space<vmem>>, vector<1x128x64xf32>
    %get3A_17 = vector.shape_cast %get3A_16 : vector<1x128x64xf32> to vector<128x64xf32>
    %dot_general3A_18 = arith.constant dense<0.000000e+00> : vector<10000x64xf32>
    %dot_general3A_19 = tpu.matmul %get3A_1, %get3A_17, %dot_general3A_18 {dimension_numbers = #tpu.dot_dimension_numbers<[1], [0], [0], [1], [0, 0, 1, 1], [], []>, transpose_lhs_hint = false} : vector<10000x128xf32>, vector<128x64xf32>, vector<10000x64xf32> -> vector<10000x64xf32>
    %swap3A_20 = arith.constant 1 : index
    %swap3A_21 = arith.constant 0 : index
    %swap3A_22 = arith.constant 0 : index
    %swap3A_23 = vector.load %arg4[%swap3A_20, %swap3A_21, %swap3A_22] : memref<2x10000x64xf32, #tpu.memory_space<vmem>>, vector<1x10000x64xf32>
    %swap3A_24 = vector.shape_cast %swap3A_23 : vector<1x10000x64xf32> to vector<10000x64xf32>
    %swap3A_25 = vector.shape_cast %dot_general3A_19 : vector<10000x64xf32> to vector<1x10000x64xf32>
    tpu.vector_store %arg4[%swap3A_20, %swap3A_21, %swap3A_22], %swap3A_25 {strides = array<i32>} : memref<2x10000x64xf32, #tpu.memory_space<vmem>>, vector<1x10000x64xf32>,
    %get3A_26 = arith.constant 0 : index
    %get3A_27 = arith.constant 0 : index
    %get3A_28 = vector.load %arg2[%get3A_26, %get3A_27] : memref<128x64xf32, #tpu.memory_space<vmem>>, vector<128x64xf32>
    %dot_general3A_29 = arith.constant dense<0.000000e+00> : vector<10000x64xf32>
    %dot_general3A_30 = tpu.matmul %get3A_1, %get3A_28, %dot_general3A_29 {dimension_numbers = #tpu.dot_dimension_numbers<[1], [0], [0], [1], [0, 0, 1, 1], [], []>, transpose_lhs_hint = false} : vector<10000x128xf32>, vector<128x64xf32>, vector<10000x64xf32> -> vector<10000x64xf32>
    %get3A_31 = arith.constant 0 : index
    %get3A_32 = arith.constant 0 : index
    %get3A_33 = vector.load %arg3[%get3A_31, %get3A_32] : memref<1x64xf32, #tpu.memory_space<vmem>>, vector<1x64xf32>
    %add3A = vector.broadcast %get3A_33 : vector<1x64xf32> to vector<10000x64xf32>
    %add3A_34 = arith.addf %dot_general3A_30, %add3A : vector<10000x64xf32>
    %swap3A_35 = arith.constant 0 : index
    %swap3A_36 = arith.constant 0 : index
    %swap3A_37 = vector.load %arg5[%swap3A_35, %swap3A_36] : memref<10000x64xf32, #tpu.memory_space<vmem>>, vector<10000x64xf32>
    tpu.vector_store %arg5[%swap3A_35, %swap3A_36], %add3A_34 {strides = array<i32>} : memref<10000x64xf32, #tpu.memory_space<vmem>>, vector<10000x64xf32>,
    return
  }
}

module attributes {stable_mosaic.version = 14 : i64} {
  func.func @body(%arg0: memref<2x10112x64xf32, #tpu.memory_space<vmem>>, %arg1: memref<10000x64xf32, #tpu.memory_space<vmem>>, %arg2: memref<2x64x64xf32, #tpu.memory_space<vmem>>, %arg3: memref<64x64xf32, #tpu.memory_space<vmem>>, %arg4: memref<1x64xf32, #tpu.memory_space<vmem>>, %arg5: memref<2x10000x64xf32, #tpu.memory_space<vmem>>, %arg6: memref<10000x64xf32, #tpu.memory_space<vmem>>) attributes {dimension_semantics = [], scalar_prefetch = 0 : i64, scratch_operands = 0 : i64, tpu.core_type = #tpu.core_type<tc>} {
    %get3A = arith.constant 0 : index
    %get3A_0 = arith.constant 0 : index
    %get3A_1 = arith.constant 0 : index
    %get3A_2 = vector.load %arg0[%get3A, %get3A_0, %get3A_1] : memref<2x10112x64xf32, #tpu.memory_space<vmem>>, vector<1x10000x64xf32>
    %get3A_3 = vector.shape_cast %get3A_2 : vector<1x10000x64xf32> to vector<10000x64xf32>
    %get3A_4 = arith.constant 1 : index
    %get3A_5 = arith.constant 0 : index
    %get3A_6 = arith.constant 0 : index
    %get3A_7 = vector.load %arg0[%get3A_4, %get3A_5, %get3A_6] : memref<2x10112x64xf32, #tpu.memory_space<vmem>>, vector<1x10000x64xf32>
    %get3A_8 = vector.shape_cast %get3A_7 : vector<1x10000x64xf32> to vector<10000x64xf32>
    %add3A = arith.addf %get3A_3, %get3A_8 : vector<10000x64xf32>
    %get3A_9 = arith.constant 0 : index
    %get3A_10 = arith.constant 0 : index
    %get3A_11 = vector.load %arg1[%get3A_9, %get3A_10] : memref<10000x64xf32, #tpu.memory_space<vmem>>, vector<10000x64xf32>
    %add3A_12 = arith.addf %add3A, %get3A_11 : vector<10000x64xf32>
    %max3A = arith.constant 0.000000e+00 : f32
    %max3A_13 = vector.broadcast %max3A : f32 to vector<10000x64xf32>
    %max3A_14 = arith.maximumf %add3A_12, %max3A_13 : vector<10000x64xf32>
    %get3A_15 = arith.constant 0 : index
    %get3A_16 = arith.constant 0 : index
    %get3A_17 = arith.constant 0 : index
    %get3A_18 = vector.load %arg2[%get3A_15, %get3A_16, %get3A_17] : memref<2x64x64xf32, #tpu.memory_space<vmem>>, vector<1x64x64xf32>
    %get3A_19 = vector.shape_cast %get3A_18 : vector<1x64x64xf32> to vector<64x64xf32>
    %dot_general3A = arith.constant dense<0.000000e+00> : vector<10000x64xf32>
    %dot_general3A_20 = tpu.matmul %max3A_14, %get3A_19, %dot_general3A {dimension_numbers = #tpu.dot_dimension_numbers<[1], [0], [0], [1], [0, 0, 1, 1], [], []>, transpose_lhs_hint = false} : vector<10000x64xf32>, vector<64x64xf32>, vector<10000x64xf32> -> vector<10000x64xf32>
    %swap3A = arith.constant 0 : index
    %swap3A_21 = arith.constant 0 : index
    %swap3A_22 = arith.constant 0 : index
    %swap3A_23 = vector.load %arg5[%swap3A, %swap3A_21, %swap3A_22] : memref<2x10000x64xf32, #tpu.memory_space<vmem>>, vector<1x10000x64xf32>
    %swap3A_24 = vector.shape_cast %swap3A_23 : vector<1x10000x64xf32> to vector<10000x64xf32>
    %swap3A_25 = vector.shape_cast %dot_general3A_20 : vector<10000x64xf32> to vector<1x10000x64xf32>
    tpu.vector_store %arg5[%swap3A, %swap3A_21, %swap3A_22], %swap3A_25 {strides = array<i32>} : memref<2x10000x64xf32, #tpu.memory_space<vmem>>, vector<1x10000x64xf32>,
    %get3A_26 = arith.constant 1 : index
    %get3A_27 = arith.constant 0 : index
    %get3A_28 = arith.constant 0 : index
    %get3A_29 = vector.load %arg2[%get3A_26, %get3A_27, %get3A_28] : memref<2x64x64xf32, #tpu.memory_space<vmem>>, vector<1x64x64xf32>
    %get3A_30 = vector.shape_cast %get3A_29 : vector<1x64x64xf32> to vector<64x64xf32>
    %dot_general3A_31 = arith.constant dense<0.000000e+00> : vector<10000x64xf32>
    %dot_general3A_32 = tpu.matmul %max3A_14, %get3A_30, %dot_general3A_31 {dimension_numbers = #tpu.dot_dimension_numbers<[1], [0], [0], [1], [0, 0, 1, 1], [], []>, transpose_lhs_hint = false} : vector<10000x64xf32>, vector<64x64xf32>, vector<10000x64xf32> -> vector<10000x64xf32>
    %swap3A_33 = arith.constant 1 : index
    %swap3A_34 = arith.constant 0 : index
    %swap3A_35 = arith.constant 0 : index
    %swap3A_36 = vector.load %arg5[%swap3A_33, %swap3A_34, %swap3A_35] : memref<2x10000x64xf32, #tpu.memory_space<vmem>>, vector<1x10000x64xf32>
    %swap3A_37 = vector.shape_cast %swap3A_36 : vector<1x10000x64xf32> to vector<10000x64xf32>
    %swap3A_38 = vector.shape_cast %dot_general3A_32 : vector<10000x64xf32> to vector<1x10000x64xf32>
    tpu.vector_store %arg5[%swap3A_33, %swap3A_34, %swap3A_35], %swap3A_38 {strides = array<i32>} : memref<2x10000x64xf32, #tpu.memory_space<vmem>>, vector<1x10000x64xf32>,
    %get3A_39 = arith.constant 0 : index
    %get3A_40 = arith.constant 0 : index
    %get3A_41 = vector.load %arg3[%get3A_39, %get3A_40] : memref<64x64xf32, #tpu.memory_space<vmem>>, vector<64x64xf32>
    %dot_general3A_42 = arith.constant dense<0.000000e+00> : vector<10000x64xf32>
    %dot_general3A_43 = tpu.matmul %max3A_14, %get3A_41, %dot_general3A_42 {dimension_numbers = #tpu.dot_dimension_numbers<[1], [0], [0], [1], [0, 0, 1, 1], [], []>, transpose_lhs_hint = false} : vector<10000x64xf32>, vector<64x64xf32>, vector<10000x64xf32> -> vector<10000x64xf32>
    %get3A_44 = arith.constant 0 : index
    %get3A_45 = arith.constant 0 : index
    %get3A_46 = vector.load %arg4[%get3A_44, %get3A_45] : memref<1x64xf32, #tpu.memory_space<vmem>>, vector<1x64xf32>
    %add3A_47 = vector.broadcast %get3A_46 : vector<1x64xf32> to vector<10000x64xf32>
    %add3A_48 = arith.addf %dot_general3A_43, %add3A_47 : vector<10000x64xf32>
    %swap3A_49 = arith.constant 0 : index
    %swap3A_50 = arith.constant 0 : index
    %swap3A_51 = vector.load %arg6[%swap3A_49, %swap3A_50] : memref<10000x64xf32, #tpu.memory_space<vmem>>, vector<10000x64xf32>
    tpu.vector_store %arg6[%swap3A_49, %swap3A_50], %add3A_48 {strides = array<i32>} : memref<10000x64xf32, #tpu.memory_space<vmem>>, vector<10000x64xf32>,
    return
  }
}

module attributes {stable_mosaic.version = 14 : i64} {
  func.func @body(%arg0: memref<2x10112x64xf32, #tpu.memory_space<vmem>>, %arg1: memref<10000x64xf32, #tpu.memory_space<vmem>>, %arg2: memref<2x64x16xf32, #tpu.memory_space<vmem>>, %arg3: memref<64x16xf32, #tpu.memory_space<vmem>>, %arg4: memref<1x16xf32, #tpu.memory_space<vmem>>, %arg5: memref<2x10000x16xf32, #tpu.memory_space<vmem>>, %arg6: memref<10000x16xf32, #tpu.memory_space<vmem>>) attributes {dimension_semantics = [], scalar_prefetch = 0 : i64, scratch_operands = 0 : i64, tpu.core_type = #tpu.core_type<tc>} {
    %get3A = arith.constant 0 : index
    %get3A_0 = arith.constant 0 : index
    %get3A_1 = arith.constant 0 : index
    %get3A_2 = vector.load %arg0[%get3A, %get3A_0, %get3A_1] : memref<2x10112x64xf32, #tpu.memory_space<vmem>>, vector<1x10000x64xf32>
    %get3A_3 = vector.shape_cast %get3A_2 : vector<1x10000x64xf32> to vector<10000x64xf32>
    %get3A_4 = arith.constant 1 : index
    %get3A_5 = arith.constant 0 : index
    %get3A_6 = arith.constant 0 : index
    %get3A_7 = vector.load %arg0[%get3A_4, %get3A_5, %get3A_6] : memref<2x10112x64xf32, #tpu.memory_space<vmem>>, vector<1x10000x64xf32>
    %get3A_8 = vector.shape_cast %get3A_7 : vector<1x10000x64xf32> to vector<10000x64xf32>
    %add3A = arith.addf %get3A_3, %get3A_8 : vector<10000x64xf32>
    %get3A_9 = arith.constant 0 : index
    %get3A_10 = arith.constant 0 : index
    %get3A_11 = vector.load %arg1[%get3A_9, %get3A_10] : memref<10000x64xf32, #tpu.memory_space<vmem>>, vector<10000x64xf32>
    %add3A_12 = arith.addf %add3A, %get3A_11 : vector<10000x64xf32>
    %max3A = arith.constant 0.000000e+00 : f32
    %max3A_13 = vector.broadcast %max3A : f32 to vector<10000x64xf32>
    %max3A_14 = arith.maximumf %add3A_12, %max3A_13 : vector<10000x64xf32>
    %get3A_15 = arith.constant 0 : index
    %get3A_16 = arith.constant 0 : index
    %get3A_17 = arith.constant 0 : index
    %get3A_18 = vector.load %arg2[%get3A_15, %get3A_16, %get3A_17] : memref<2x64x16xf32, #tpu.memory_space<vmem>>, vector<1x64x16xf32>
    %get3A_19 = vector.shape_cast %get3A_18 : vector<1x64x16xf32> to vector<64x16xf32>
    %dot_general3A = arith.constant dense<0.000000e+00> : vector<10000x16xf32>
    %dot_general3A_20 = tpu.matmul %max3A_14, %get3A_19, %dot_general3A {dimension_numbers = #tpu.dot_dimension_numbers<[1], [0], [0], [1], [0, 0, 1, 1], [], []>, transpose_lhs_hint = false} : vector<10000x64xf32>, vector<64x16xf32>, vector<10000x16xf32> -> vector<10000x16xf32>
    %swap3A = arith.constant 0 : index
    %swap3A_21 = arith.constant 0 : index
    %swap3A_22 = arith.constant 0 : index
    %swap3A_23 = vector.load %arg5[%swap3A, %swap3A_21, %swap3A_22] : memref<2x10000x16xf32, #tpu.memory_space<vmem>>, vector<1x10000x16xf32>
    %swap3A_24 = vector.shape_cast %swap3A_23 : vector<1x10000x16xf32> to vector<10000x16xf32>
    %swap3A_25 = vector.shape_cast %dot_general3A_20 : vector<10000x16xf32> to vector<1x10000x16xf32>
    tpu.vector_store %arg5[%swap3A, %swap3A_21, %swap3A_22], %swap3A_25 {strides = array<i32>} : memref<2x10000x16xf32, #tpu.memory_space<vmem>>, vector<1x10000x16xf32>,
    %get3A_26 = arith.constant 1 : index
    %get3A_27 = arith.constant 0 : index
    %get3A_28 = arith.constant 0 : index
    %get3A_29 = vector.load %arg2[%get3A_26, %get3A_27, %get3A_28] : memref<2x64x16xf32, #tpu.memory_space<vmem>>, vector<1x64x16xf32>
    %get3A_30 = vector.shape_cast %get3A_29 : vector<1x64x16xf32> to vector<64x16xf32>
    %dot_general3A_31 = arith.constant dense<0.000000e+00> : vector<10000x16xf32>
    %dot_general3A_32 = tpu.matmul %max3A_14, %get3A_30, %dot_general3A_31 {dimension_numbers = #tpu.dot_dimension_numbers<[1], [0], [0], [1], [0, 0, 1, 1], [], []>, transpose_lhs_hint = false} : vector<10000x64xf32>, vector<64x16xf32>, vector<10000x16xf32> -> vector<10000x16xf32>
    %swap3A_33 = arith.constant 1 : index
    %swap3A_34 = arith.constant 0 : index
    %swap3A_35 = arith.constant 0 : index
    %swap3A_36 = vector.load %arg5[%swap3A_33, %swap3A_34, %swap3A_35] : memref<2x10000x16xf32, #tpu.memory_space<vmem>>, vector<1x10000x16xf32>
    %swap3A_37 = vector.shape_cast %swap3A_36 : vector<1x10000x16xf32> to vector<10000x16xf32>
    %swap3A_38 = vector.shape_cast %dot_general3A_32 : vector<10000x16xf32> to vector<1x10000x16xf32>
    tpu.vector_store %arg5[%swap3A_33, %swap3A_34, %swap3A_35], %swap3A_38 {strides = array<i32>} : memref<2x10000x16xf32, #tpu.memory_space<vmem>>, vector<1x10000x16xf32>,
    %get3A_39 = arith.constant 0 : index
    %get3A_40 = arith.constant 0 : index
    %get3A_41 = vector.load %arg3[%get3A_39, %get3A_40] : memref<64x16xf32, #tpu.memory_space<vmem>>, vector<64x16xf32>
    %dot_general3A_42 = arith.constant dense<0.000000e+00> : vector<10000x16xf32>
    %dot_general3A_43 = tpu.matmul %max3A_14, %get3A_41, %dot_general3A_42 {dimension_numbers = #tpu.dot_dimension_numbers<[1], [0], [0], [1], [0, 0, 1, 1], [], []>, transpose_lhs_hint = false} : vector<10000x64xf32>, vector<64x16xf32>, vector<10000x16xf32> -> vector<10000x16xf32>
    %get3A_44 = arith.constant 0 : index
    %get3A_45 = arith.constant 0 : index
    %get3A_46 = vector.load %arg4[%get3A_44, %get3A_45] : memref<1x16xf32, #tpu.memory_space<vmem>>, vector<1x16xf32>
    %add3A_47 = vector.broadcast %get3A_46 : vector<1x16xf32> to vector<10000x16xf32>
    %add3A_48 = arith.addf %dot_general3A_43, %add3A_47 : vector<10000x16xf32>
    %swap3A_49 = arith.constant 0 : index
    %swap3A_50 = arith.constant 0 : index
    %swap3A_51 = vector.load %arg6[%swap3A_49, %swap3A_50] : memref<10000x16xf32, #tpu.memory_space<vmem>>, vector<10000x16xf32>
    tpu.vector_store %arg6[%swap3A_49, %swap3A_50], %add3A_48 {strides = array<i32>} : memref<10000x16xf32, #tpu.memory_space<vmem>>, vector<10000x16xf32>,
    return
  }
}

module attributes {stable_mosaic.version = 14 : i64} {
  func.func @body(%arg0: memref<2x10112x16xf32, #tpu.memory_space<vmem>>, %arg1: memref<10000x16xf32, #tpu.memory_space<vmem>>, %arg2: memref<10000x1xi32, #tpu.memory_space<vmem>>, %arg3: memref<10000x1xi32, #tpu.memory_space<vmem>>, %arg4: memref<10000x2xf32, #tpu.memory_space<vmem>>) attributes {dimension_semantics = [], scalar_prefetch = 0 : i64, scratch_operands = 0 : i64, tpu.core_type = #tpu.core_type<tc>} {
    %get3A = arith.constant 0 : index
    %get3A_0 = arith.constant 0 : index
    %get3A_1 = arith.constant 0 : index
    %get3A_2 = vector.load %arg0[%get3A, %get3A_0, %get3A_1] : memref<2x10112x16xf32, #tpu.memory_space<vmem>>, vector<1x10000x16xf32>
    %get3A_3 = vector.shape_cast %get3A_2 : vector<1x10000x16xf32> to vector<10000x16xf32>
    %get3A_4 = arith.constant 1 : index
    %get3A_5 = arith.constant 0 : index
    %get3A_6 = arith.constant 0 : index
    %get3A_7 = vector.load %arg0[%get3A_4, %get3A_5, %get3A_6] : memref<2x10112x16xf32, #tpu.memory_space<vmem>>, vector<1x10000x16xf32>
    %get3A_8 = vector.shape_cast %get3A_7 : vector<1x10000x16xf32> to vector<10000x16xf32>
    %add3A = arith.addf %get3A_3, %get3A_8 : vector<10000x16xf32>
    %get3A_9 = arith.constant 0 : index
    %get3A_10 = arith.constant 0 : index
    %get3A_11 = vector.load %arg1[%get3A_9, %get3A_10] : memref<10000x16xf32, #tpu.memory_space<vmem>>, vector<10000x16xf32>
    %add3A_12 = arith.addf %add3A, %get3A_11 : vector<10000x16xf32>
    %slice3A = vector.extract_strided_slice %add3A_12 {offsets = [0, 0], sizes = [10000, 2], strides = [1, 1]} : vector<10000x16xf32> to vector<10000x2xf32>
    %reduce_min3A = vector.shape_cast %slice3A : vector<10000x2xf32> to vector<1x10000x2xf32>
    %reduce_min3A_13 = arith.constant dense<0x7F800000> : vector<1xf32>
    %reduce_min3A_14 = vector.multi_reduction <minimumf>, %reduce_min3A, %reduce_min3A_13 [1, 2] : vector<1x10000x2xf32> to vector<1xf32>
    %reduce_min3A_15 = vector.shape_cast %reduce_min3A_14 : vector<1xf32> to vector<1x1x1xf32>
    %reduce_min3A_16 = vector.extract %reduce_min3A_15[0, 0, 0] : f32 from vector<1x1x1xf32>
    %get3A_17 = arith.constant 0 : index
    %get3A_18 = arith.constant 0 : index
    %get3A_19 = vector.load %arg2[%get3A_17, %get3A_18] : memref<10000x1xi32, #tpu.memory_space<vmem>>, vector<10000x1xi32>
    %get3A_20 = arith.constant 0 : index
    %get3A_21 = arith.constant 0 : index
    %get3A_22 = vector.load %arg3[%get3A_20, %get3A_21] : memref<10000x1xi32, #tpu.memory_space<vmem>>, vector<10000x1xi32>
    %sub3A = arith.constant 1 : i32
    %sub3A_23 = vector.broadcast %sub3A : i32 to vector<10000x1xi32>
    %sub3A_24 = arith.subi %get3A_22, %sub3A_23 : vector<10000x1xi32>
    %ge3A = arith.cmpi sge, %get3A_19, %sub3A_24 : vector<10000x1xi32>
    %eq3A = arith.constant 0 : i32
    %eq3A_25 = vector.broadcast %eq3A : i32 to vector<10000x1xi32>
    %eq3A_26 = arith.cmpi eq, %get3A_19, %eq3A_25 : vector<10000x1xi32>
    %sub3A_27 = arith.constant 1.000000e+00 : f32
    %sub3A_28 = arith.subf %reduce_min3A_16, %sub3A_27 : f32
    %slice3A_29 = vector.extract_strided_slice %slice3A {offsets = [0, 0], sizes = [10000, 1], strides = [1, 1]} : vector<10000x2xf32> to vector<10000x1xf32>
    %broadcast_in_dim3A = vector.broadcast %sub3A_28 : f32 to vector<10000x1xf32>
    %select_n3A = arith.select %ge3A, %broadcast_in_dim3A, %slice3A_29 : vector<10000x1xi1>, vector<10000x1xf32>
    %slice3A_30 = vector.extract_strided_slice %slice3A {offsets = [0, 1], sizes = [10000, 1], strides = [1, 1]} : vector<10000x2xf32> to vector<10000x1xf32>
    %broadcast_in_dim3A_31 = vector.broadcast %sub3A_28 : f32 to vector<10000x1xf32>
    %select_n3A_32 = arith.select %eq3A_26, %broadcast_in_dim3A_31, %slice3A_30 : vector<10000x1xi1>, vector<10000x1xf32>
    %concatenate3A = tpu.concatenate %select_n3A, %select_n3A_32 in 1 : vector<10000x1xf32>, vector<10000x1xf32> -> vector<10000x2xf32>
    %swap3A = arith.constant 0 : index
    %swap3A_33 = arith.constant 0 : index
    %swap3A_34 = vector.load %arg4[%swap3A, %swap3A_33] : memref<10000x2xf32, #tpu.memory_space<vmem>>, vector<10000x2xf32>
    tpu.vector_store %arg4[%swap3A, %swap3A_33], %concatenate3A {strides = array<i32>} : memref<10000x2xf32, #tpu.memory_space<vmem>>, vector<10000x2xf32>,
    return
  }
}

</mosaic_0001>

<sc_bundles>
// kernel: kernel.12.cloned.1.call-start
scs
__scs_entry_jumppad:
0x0: {  	(pc) =	sbr.rel $0x88, $3  }
0x1: {  	(tag) =	ssettag $0x0;
	lr =	simm.s32 $0x1  }
0x2: {  	[smem:$0x3F93] =	sst lr;
	_ =	strace $0xD0000000  }
0x3: {  	_ = 	snop  }
0x4: {  	_ = 	snop  }
0x5: {  	_ = 	snop  }
0x6: {  	_ = 	snop  }
0x7: {  	_ = 	snop  }
__scs_overlays_trampoline_lowered:
0x8: {  	[smem:$0x3FA2] =	sst s0  }
0x9: {  	[smem:$0x3FA3] =	sst s1  }
0xa: {  	[smem:$0x3FA4] =	sst s2  }
0xb: {  	[smem:$0x3FA5] =	sst s3  }
0xc: {  	[smem:$0x3FA6] =	sst s4  }
0xd: {  	[smem:$0x3FA7] =	sst s5  }
0xe: {  	[smem:$0x3FA8] =	sst s6  }
0xf: {  	[smem:$0x3FA9] =	sst s7  }
0x10: {  	[smem:$0x3FAA] =	sst s8  }
0x11: {  	[smem:$0x3FAB] =	sst s9;
	s0 =	simm.s32 @!p0 $0x0  }
0x12: {  	s1 =	sld [smem:$0x3F91];
	s0 =	simm.s32 @p0 $0x1  }
0x13: {  	[smem:$0x3FAC] =	sst s0;
	s0 =	simm.s32 @!p1 $0x0  }
0x14: {  	s2 =	sld [smem:$0x3F90];
	s0 =	simm.s32 @p1 $0x1  }
0x15: {  	[smem:$0x3FAD] =	sst s0;
	s0 =	simm.s32 @!p2 $0x0  }
0x16: {  	s3 =	sld [smem:$0x3FDB];
	s0 =	simm.s32 @p2 $0x1  }
0x17: {  	s4 =	simm.s32 $0x1BF5;
	[smem:$0x3FAF] =	sst s0  }
0x18: {  	s0 =	sld [smem:$0x3F92];
	_ =	swait.ge [sflag:s4], $0x0  }
0x19: {  	s7 =	sld [smem:$0x3F93]  }
0x1a: {  	s8 =	sadd.s32 $0xFFFFE003, lr  }
0x1b: {  	s9 =	sadd.s32 $0xFFFFFEF7, lr;
	s5 =	simm.s32 $0xFFFFFFFF;
	p2 =	slt.u32 s8, $0xFFFFF086  }
0x1c: {  	p1 =	slt.u32 s9, $0xF7A;
	s5 =	simm.s32 @!p2 $0x0  }
0x1d: {  	s5 =	simm.s32 @p1 $0x1;
	p0 =	seq.s32 s7, s2  }
0x1e: {  	s7 =	smul.u32 @!p0 $0xF7A, s2;
	p2 =	seq.s32 @!p0 s5, $0x0  }
0x1f: {  	s9 =	smul.u32 $0xF7A, s1;
	s8 =	simm.s32 @!p0 $0x1BF5;
	p2 =	por !p2, p0  }
0x20: {  	[sflag:s8] =	ssyncset.s32 @!p0 $0xFFFFF086;
	s6 =	sadd.s32 @!p0 s3, s7;
	s7 =	simm.s32 @!p0 $0x108  }
0x21: {  	s3 =	sadd.s32 s3, s9;
	s6 =	sadd.s32 @!p0 $0x88, s6;
	s7 =	simm.s32 @p2 $0x1082  }
0x22: {  	[simem:s7], [sflag:s8] =	dma.local @!p0 [hbm:s6], $0xF7A  }
0x23: {  	s9 =	sor.u32 $0xD0000000, s2;
	s6 =	simm.s32 $0x108;
	_ =	swait.ge @!p0 [sflag:s8], $0x0  }
0x24: {  	s3 =	sadd.s32 $0x88, s3;
	s6 =	simm.s32 @!p1 $0x1082;
	[sflag:s4] =	ssyncset.s32 $0xFFFFF086  }
0x25: {  	[simem:s6], [sflag:s4] =	dma.local [hbm:s3], $0xF7A  }
0x26: {  	[smem:$0x3F93] =	sst s1;
	(tag) =	ssettag s2;
	_ =	strace s9  }
0x27: {  	s1 =	sld [smem:$0x3FA3]  }
0x28: {  	s2 =	sld [smem:$0x3FA4]  }
0x29: {  	s4 =	sld [smem:$0x3FA6]  }
0x2a: {  	p0 =	seq.s32 s5, $0x0;
	s5 =	sld [smem:$0x3FA7]  }
0x2b: {  	s6 =	sld [smem:$0x3FA8]  }
0x2c: {  	s7 =	sld [smem:$0x3FA9]  }
0x2d: {  	s3 =	simm.s32 $0x108;
	s8 =	sld [smem:$0x3FAA]  }
0x2e: {  	s3 =	simm.s32 @!p0 $0x1082;
	s9 =	sld [smem:$0x3FAB]  }
0x2f: {  	lr =	sadd.s32 s0, s3;
	s0 =	sld [smem:$0x3FA2]  }
0x30: {  	s3 =	sld [smem:$0x3FA5]  }
0x31: {  	[smem:$0x3FAE] =	sst s10  }
0x32: {  	s10 =	sld [smem:$0x3FAC];
	_ =	sdelay $0x3  }
0x33: {  	p0 =	seq.s32 s10, $0x1;
	s10 =	sld [smem:$0x3FAE];
	_ =	sdelay $0x3  }
0x34: {  	[smem:$0x3FAE] =	sst s10  }
0x35: {  	s10 =	sld [smem:$0x3FAD];
	_ =	sdelay $0x3  }
0x36: {  	p1 =	seq.s32 s10, $0x1;
	s10 =	sld [smem:$0x3FAE];
	_ =	sdelay $0x3  }
0x37: {  	[smem:$0x3FAE] =	sst s10  }
0x38: {  	s10 =	sld [smem:$0x3FAF]  }
0x39: {  	_ = 	snop;
	(pc) =	sbr.ind lr, $3  }
0x3a: {  	_ = 	snop  }
0x3b: {  	_ = 	snop  }
0x3c: {  	p2 =	seq.s32 s10, $0x1;
	s10 =	sld [smem:$0x3FAE]  }
0x3d: {  	_ =	shalt  }
0x3e: {  	_ =	shalt  }
0x3f: {  	_ =	shalt  }
0x40: {  	_ =	shalt  }
0x41: {  	_ =	shalt  }
0x42: {  	_ =	shalt  }
0x43: {  	_ =	shalt  }
0x44: {  	_ =	shalt  }
0x45: {  	_ =	shalt  }
0x46: {  	_ =	shalt  }
0x47: {  	_ =	shalt  }
0x48: {  	_ =	shalt  }
0x49: {  	_ =	shalt  }
0x4a: {  	_ =	shalt  }
0x4b: {  	_ =	shalt  }
0x4c: {  	_ =	shalt  }
0x4d: {  	_ =	shalt  }
0x4e: {  	_ =	shalt  }
0x4f: {  	_ =	shalt  }
0x50: {  	_ =	shalt  }
0x51: {  	_ =	shalt  }
0x52: {  	_ =	shalt  }
0x53: {  	_ =	shalt  }
0x54: {  	_ =	shalt  }
0x55: {  	_ =	shalt  }
0x56: {  	_ =	shalt  }
0x57: {  	_ =	shalt  }
0x58: {  	_ =	shalt  }
0x59: {  	_ =	shalt  }
0x5a: {  	_ =	shalt  }
0x5b: {  	_ =	shalt  }
0x5c: {  	_ =	shalt  }
0x5d: {  	_ =	shalt  }
0x5e: {  	_ =	shalt  }
0x5f: {  	_ =	shalt  }
0x60: {  	_ =	shalt  }
0x61: {  	_ =	shalt  }
0x62: {  	_ =	shalt  }
0x63: {  	_ =	shalt  }
0x64: {  	_ =	shalt  }
0x65: {  	_ =	shalt  }
0x66: {  	_ =	shalt  }
0x67: {  	_ =	shalt  }
0x68: {  	_ =	shalt  }
0x69: {  	_ =	shalt  }
0x6a: {  	_ =	shalt  }
0x6b: {  	_ =	shalt  }
0x6c: {  	_ =	shalt  }
0x6d: {  	_ =	shalt  }
0x6e: {  	_ =	shalt  }
0x6f: {  	_ =	shalt  }
0x70: {  	_ =	shalt  }
0x71: {  	_ =	shalt  }
0x72: {  	_ =	shalt  }
0x73: {  	_ =	shalt  }
0x74: {  	_ =	shalt  }
0x75: {  	_ =	shalt  }
0x76: {  	_ =	shalt  }
0x77: {  	_ =	shalt  }
0x78: {  	_ =	shalt  }
0x79: {  	_ =	shalt  }
0x7a: {  	_ =	shalt  }
0x7b: {  	_ =	shalt  }
0x7c: {  	_ =	shalt  }
0x7d: {  	_ =	shalt  }
0x7e: {  	_ =	shalt  }
0x7f: {  	_ =	shalt  }
0x80: {  	_ =	shalt  }
0x81: {  	_ =	shalt  }
0x82: {  	_ =	shalt  }
0x83: {  	_ =	shalt  }
0x84: {  	_ =	shalt  }
0x85: {  	_ =	shalt  }
0x86: {  	_ =	shalt  }
0x87: {  	_ =	shalt  }
.Lfunc_end0:
.L_simem_size_0:
called_computation.1_lowered:
.L_overlay_start_0:
0x88: {  	s2 =	sld [smem:$0x3FD9]  }
0x89: {  	s3 =	sld [smem:$0x3FFE];
	_ =	sdelay $0x1  }
0x8a: {  	s1 =	srdreg.scid  }
0x8b: {  	s0 =	sand.u32 $0x1, s1  }
0x8c: {  	s16 =	sshll.u32 s0, $0xA;
	s2 =	sadd.s32 s3, s2  }
0x8d: {  	s2 =	sadd.s32 s2, s16  }
0x8e: {  	[smem:$0x3FBA] =	sst s2  }
0x8f: {  	_ = 	snop  }
0x90: {  	(tm) =	ssettm $0x1  }
0x91: {  	s17 =	sld [smem:$0x3FFB];
	_ =	sdelay $0x3  }
0x92: {  	_ =	strace s17  }
0x93: {  	s2 =	sld [smem:$0x3FFC];
	_ =	sdelay $0x3  }
0x94: {  	_ =	strace s2  }
0x95: {  	s2 =	sld [smem:$0x3FFD];
	_ =	sdelay $0x3  }
0x96: {  	_ =	strace s2  }
0x97: {  	_ =	strace $0x8FFFFFFF  }
0x98: {  	s18 =	sld [smem:$0x3FDB];
	_ =	sdelay $0x1  }
0x99: {  	s19 =	simm.s32 $_scs_section_size  }
0x9a: {  	s4 =	simm.s32 $_size__tile_overlayer_lowered;
	s5 =	simm.s32 $_tile_overlayer_lowered  }
0x9b: {  	s22 =	simm.s32 $0x1BFF;
	s21 =	sshll.u32 s5, $0x1;
	s2 =	sadd.s32 s19, s18  }
0x9c: {  	s6 =	simm.s32 $0x0;
	s20 =	sshll.u32 s4, $0x1;
	s4 =	sadd.s32 s21, s2  }
0x9d: {  	[timem:s6], [sflag:s22] =	dma.local [hbm:s4], s20  }
0x9e: {  	_ =	swait.ge [sflag:s22], s20  }
0x9f: {  	s3 =	ssub.s32 $0x0, s20;
	[sflag:s22] =	ssyncset.done $0x0  }
0xa0: {  	[sflag:s22] =	ssyncadd.s32 s3;
	_ =	sdelay $0x1  }
0xa1: {  	s23 =	simm.s32 $0x1B8B  }
0xa2: {  	_ =	swait.ge [sflag:s23], $0x1  }
0xa3: {  	[sflag:s23] =	ssyncset.done $0x0  }
0xa4: {  	s25 =	simm.s32 $0x1B8E;
	s24 =	sld [smem:$0x3FFE];
	[sflag:s23] =	ssyncadd.s32 $0xFFFFFFFF  }
0xa5: {  	s26 =	simm.s32 $execute0_lowered;
	[smem:$0x3FD2] =	sst s25  }
0xa6: {  	s4 =	sshll.u32 s26, $0x1;
	_ =	strace $0x80000049;
	[dreg:$0x1] =	wrdreg $0xFFFFFFFF  }
0xa7: {  	s28 =	simm.s32 $_size_execute0_lowered;
	s2 =	sadd.s32 s2, s4;
	[dreg:$0x0] =	wrdreg $0x0  }
0xa8: {  	s4 =	sshll.u32 s28, $0x1;
	[dreg:$0x2] =	wrdreg s2  }
0xa9: {  	[dreg:$0x3] =	wrdreg s4  }
0xaa: {  	[dreg:$0x4] =	wrdreg $0xC0  }
0xab: {  	_ =	task [dreg:s6], $0x5FFFF  }
0xac: {  	[dreg:$0x1] =	wrdreg $0xFFFFFFFF  }
0xad: {  	[dreg:$0x0] =	wrdreg $0x60  }
0xae: {  	[dreg:$0x2] =	wrdreg s24  }
0xaf: {  	[dreg:$0x3] =	wrdreg $0x10D000  }
0xb0: {  	[dreg:$0x4] =	wrdreg $0x9  }
0xb1: {  	_ =	task.clear_ibuf [dreg:s6], $0x5FFFF;
	_ =	strace $0x90000049  }
0xb2: {  	s29 =	simm.s32 $0x9;
	_ =	strace $0x8000004B  }
0xb3: {  	_ =	swait.ge [sflag:s29], $0x1  }
0xb4: {  	[sflag:s29] =	ssyncadd.s32 $0xFFFFFFFF  }
0xb5: {  	_ =	strace $0x9000004B  }
0xb6: {  	_ =	sfence  }
0xb7: {  	s30 =	sld [smem:$0x0];
	_ =	sdelay $0x2  }
0xb8: {  	s31 =	sshll.u32 s1, $0xD;
	s1 =	sshrl.u32 s1, $0x2  }
0xb9: {  	s3 =	sand.u32 $0x4000, s31;
	s1 =	sadd.s32 s1, s30  }
0xba: {  	s0 =	sor.u32 s3, s0;
	s1 =	sshll.u32 s1, $0x11  }
0xbb: {  	s0 =	sor.u32 s1, s0  }
0xbc: {  	s0 =	sadd.s32 $0x8F2B, s0  }
0xbd: {  	[sflag:s0] =	ssyncadd.remote.s32 $0x1  }
0xbe: {  	_ =	sfence.sel $0xFFFF  }
0xbf: {  	[dreg:$0x0] =	wrdreg $0xFFFFFFFF;
	(pc) =	sbr.abs _section_cstart, $3  }
0xc0: {  	[dreg:$0x1] =	wrdreg $0xFFFFFFFF  }
0xc1: {  	_ =	task.clear_ibuf [dreg:s6], $0x2FFFF;
	_ =	strace $0x9FFFFFFF  }
0xc2: {  	(tm) =	ssettm $0x7FFFFFFF  }
0xc3: {  	_ =	shalt  }
tec
execute0_lowered:
.L_overlay_start_1:
0x0: {  	(tag) =	ssettag $0x1  }
0x1: {  	s6 =	rddreg [dreg:$0x0]  }
0x2: {  	s0 =	srdreg.scid;
	s2 =	rddreg [dreg:$0x1];
	s3 =	simm.s32 $0x0  }
0x3: {  	s12 =	simm.s32 $0x2;
	s13 =	simm.s32 $0x2780;
	s14 =	simm.s32 $0x80  }
0x4: {  	s15 =	simm.s32 $0x4F00;
	s16 =	simm.s32 $0x1;
	s17 =	simm.s32 $0x0  }
0x5: {  	s5 =	sand.u32 $0x1, s0;
	s0 =	stileid.u32;
	[smem:$0x7FF] =	sst s3  }
0x6: {  	s4 =	sadd.s32 $0x1C00, s6;
	s1 =	sshll.u32 s5, $0x4;
	s8 =	smul.u32 $0x9E00, s0  }
0x7: {  	s9 =	smul.u32 $0x9E000, s5;
	s5 =	ssub.s32 $0x2, s5;
	s1 =	sor.u32 s0, s1  }
0x8: {  	s11 =	sshrl.u32 s5, $0x1;
	s7 =	smul.u32 $0x4F0, s1;
	s1 =	rddreg [dreg:$0x2]  }
0x9: {  	_ =	strace $0x8000004A;
	s31 =	sshrl.u32 s8, $0x3;
	s9 =	sadd.s32 s8, s9  }
0xa: {  	s11 =	ssub.s32 s5, s11;
	s9 =	sshrl.u32 s9, $0x3;
	s10 =	sadd.s32 s7, s6  }
0xb: {  	s7 =	sadd.s32 s31, s6;
	s9 =	sadd.s32 s9, s6;
	s6 =	sadd.s32 s8, s2  }
0xc: {  	s5 =	sadd.s32 $0x3CA00, s7;
	s7 =	sadd.s32 $0x28E00, s10;
	s8 =	sadd.s32 $0x32C00, s10  }
0xd: {  	s9 =	sadd.s32 $0x50600, s9;
	s10 =	smax.u32 s11, $0x1;
	s11 =	simm.s32 $0x6F00  }
.LBB2_1:
0xe: {  	[tilespmem:s11], [sflag:$0x2] =	stream.linear.gather [hbm4b:s5+s3], $0x9E00, $0x38;
	[tilespmem:$0x1AB00] =	vst v63  }
0xf: {  	_ =	swait.ge [sflag:s12], $0x9E00  }
0x10: {  	[sflag:s12] =	ssyncset.done $0x0  }
0x11: {  	[sflag:s12] =	ssyncadd.s32 $0xFFFF6200  }
0x12: {  	[spmem:s6] =	stream.linear.scatter [tilespmem:s11], [sflag:$0x2], $0x9E00, $0x38;
	[tilespmem:$0x1AB00] =	vst v63  }
0x13: {  	_ =	swait.ge [sflag:s12], $0x9E00  }
0x14: {  	[sflag:s12] =	ssyncset.done $0x0  }
0x15: {  	[sflag:s12] =	ssyncadd.s32 $0xFFFF6200  }
0x16: {  	[tilespmem:s3], [sflag:$0x2] =	stream.linear.gather [hbm4b:s7+s3], $0x2780, $0x38;
	[tilespmem:$0x1AB00] =	vst v63  }
0x17: {  	_ =	swait.ge [sflag:s12], $0x2780  }
0x18: {  	[sflag:s12] =	ssyncset.done $0x0  }
0x19: {  	[sflag:s12] =	ssyncadd.s32 $0xFFFFD880  }
0x1a: {  	[tilespmem:s13], [sflag:$0x2] =	stream.linear.gather [hbm4b:s8+s3], $0x2780, $0x38;
	[tilespmem:$0x1AB00] =	vst v63  }
0x1b: {  	_ =	swait.ge [sflag:s12], $0x2780  }
0x1c: {  	[sflag:s12] =	ssyncset.done $0x0  }
0x1d: {  	[sflag:s12] =	ssyncadd.s32 $0xFFFFD880  }
0x1e: {  	s18 =	simm.s32 $0x0;
	[bflag:$0x0] =	sbarrier.arrive $0xFFFF  }
0x1f: {  	[tilespmem:s15], [sflag:$0x1] =	stream.indirect.gather [hbm4b:s4+s14], $0x40, s18, s14, $0xb8;
	[tilespmem:$0x1AB00] =	vst v63  }
0x20: {  	_ =	swait.ge [sflag:s16], $0x2000  }
0x21: {  	[sflag:s16] =	ssyncset.done $0x0  }
0x22: {  	s31 =	simm.s32 $0x2780;
	[sflag:s16] =	ssyncadd.s32 $0xFFFFE000  }
0x23: {  	[spmem:s2] =	stream.indirect.scatter.add.f32 [tilespmem:s15], [sflag:$0x2], $0x40, s31, s14, $0xb8;
	[tilespmem:$0x1AB00] =	vst v63  }
0x24: {  	_ =	swait.ge [sflag:s12], $0x2000  }
0x25: {  	s19 =	simm.s32 $0x400;
	s18 =	simm.s32 $0x200;
	[sflag:s12] =	ssyncset.done $0x0  }
.LBB2_2:
0x26: {  	s20 =	sshra.s32 s18, $0x2  }
0x27: {  	[sflag:s12] =	ssyncadd.s32 $0xFFFFE000;
	s18 =	smov.u32 s19;
	s21 =	sadd.s32 $0x200, s19  }
0x28: {  	[tilespmem:s15], [sflag:$0x1] =	stream.indirect.gather [hbm4b:s4+s14], $0x40, s20, s14, $0xb8;
	[tilespmem:$0x1AB00] =	vst v63  }
0x29: {  	p0 =	sne.s32 s19, $0x9C00;
	_ =	swait.ge [sflag:s16], $0x2000  }
.Ltmp0:
0x2a: {  	[sflag:s16] =	ssyncset.done $0x0;
	(pc) =	sbr.rel @p0 .LBB2_2-.Ltmp0, $4  }
0x2b: {  	s19 =	sadd.s32 $0x2780, s20;
	[sflag:s16] =	ssyncadd.s32 $0xFFFFE000  }
0x2c: {  	[spmem:s2] =	stream.indirect.scatter.add.f32 [tilespmem:s15], [sflag:$0x2], $0x40, s19, s14, $0xb8;
	[tilespmem:$0x1AB00] =	vst v63  }
0x2d: {  	_ =	swait.ge [sflag:s12], $0x2000  }
0x2e: {  	s19 =	smov.u32 s21;
	[sflag:s12] =	ssyncset.done $0x0  }
0x2f: {  	s18 =	sshra.s32 s18, $0x2;
	[sflag:s12] =	ssyncadd.s32 $0xFFFFE000  }
0x30: {  	[tilespmem:s15], [sflag:$0x1] =	stream.indirect.gather [hbm4b:s4+s14], $0x40, s18, s14, $0xb8;
	[tilespmem:$0x1AB00] =	vst v63  }
0x31: {  	_ =	swait.ge [sflag:s16], $0x2000  }
0x32: {  	[sflag:s16] =	ssyncset.done $0x0  }
0x33: {  	s18 =	sadd.s32 $0x2780, s18;
	[sflag:s16] =	ssyncadd.s32 $0xFFFFE000  }
0x34: {  	[spmem:s2] =	stream.indirect.scatter.add.f32 [tilespmem:s15], [sflag:$0x2], $0x40, s18, s14, $0xb8;
	[tilespmem:$0x1AB00] =	vst v63  }
0x35: {  	_ =	swait.ge [sflag:s12], $0x2000  }
0x36: {  	[sflag:s12] =	ssyncset.done $0x0  }
0x37: {  	[sflag:s12] =	ssyncadd.s32 $0xFFFFE000  }
0x38: {  	[bflag:$0x0] =	sbarrier.arrive $0xFFFF  }
0x39: {  	[tilespmem:s11], [sflag:$0x2] =	stream.linear.gather [spmem:s6], $0x9E00, $0x38;
	[tilespmem:$0x1AB00] =	vst v63  }
0x3a: {  	s17 =	sadd.s32 $0x1, s17;
	_ =	swait.ge [sflag:s12], $0x9E00  }
0x3b: {  	p0 =	sne.s32 s17, s10;
	[sflag:s12] =	ssyncset.done $0x0  }
.Ltmp1:
0x3c: {  	[sflag:s12] =	ssyncadd.s32 $0xFFFF6200;
	(pc) =	sbr.rel @p0 .LBB2_1-.Ltmp1, $4  }
0x3d: {  	[hbm4b:s9+s3] =	stream.linear.scatter [tilespmem:s11], [sflag:$0x2], $0x9E00, $0x38;
	[tilespmem:$0x1AB00] =	vst v63  }
0x3e: {  	_ =	swait.ge [sflag:s12], $0x9E00  }
0x3f: {  	[sflag:s12] =	ssyncset.done $0x0  }
0x40: {  	[sflag:s12] =	ssyncadd.s32 $0xFFFF6200  }
0x41: {  	_ =	sfence.sel $0x180000  }
0x42: {  	[bflag:$0x0] =	sbarrier.arrive $0xFFFF  }
0x43: {  	p0 =	sne.s32 s0, $0x0;
	_ =	strace $0x9000004A  }
0x44: {  	s0 =	sadd.s32 @!p0 $0x100000, s1;
	[bflag:$0x2] =	sbarrier.arrive $0xFFFF  }
0x45: {  	[sflag:s0] =	ssyncadd.tile.s32 @!p0 $0x1;
	_ =	shalt  }
.Lfunc_end2:
_tile_overlayer_lowered:
.L_overlay_start_2:
0x46: {  	(tag) =	ssettag $0x2  }
0x47: {  	s0 =	rddreg [dreg:$0x0];
	s2 =	stileid.u32  }
0x48: {  	s1 =	rddreg [dreg:$0x1];
	p0 =	sne.s32 s2, $0x0  }
0x49: {  	s3 =	rddreg [dreg:$0x2];
	[bflag:$0x3] =	sbarrier.arrive $0xFFFF;
	s2 =	simm.s32 @!p0 $0x1C02  }
0x4a: {  	[timem:s3], [sflag:s2] =	dma.local @!p0 [hbm:s0], s1  }
0x4b: {  	s0 =	simm.s32 @!p0 $0x2  }
0x4c: {  	_ =	swait.ge @!p0 [sflag:s0], s1  }
0x4d: {  	s1 =	ssub.s32 @!p0 $0x0, s1;
	[sflag:s0] =	ssyncset.done @!p0 $0x0  }
0x4e: {  	[sflag:s0] =	ssyncadd.s32 @!p0 s1  }
0x4f: {  	[bflag:$0x3] =	sbarrier.arrive $0xFFFF  }
0x50: {  	_ =	shalt  }

// kernel: kernel.15.cloned.1.call-start
scs
__scs_entry_jumppad:
0x0: {  	(pc) =	sbr.rel $0x88, $3  }
0x1: {  	(tag) =	ssettag $0x0;
	lr =	simm.s32 $0x1  }
0x2: {  	[smem:$0x3F93] =	sst lr;
	_ =	strace $0xD0000000  }
0x3: {  	_ = 	snop  }
0x4: {  	_ = 	snop  }
0x5: {  	_ = 	snop  }
0x6: {  	_ = 	snop  }
0x7: {  	_ = 	snop  }
__scs_overlays_trampoline_lowered:
0x8: {  	[smem:$0x3FA2] =	sst s0  }
0x9: {  	[smem:$0x3FA3] =	sst s1  }
0xa: {  	[smem:$0x3FA4] =	sst s2  }
0xb: {  	[smem:$0x3FA5] =	sst s3  }
0xc: {  	[smem:$0x3FA6] =	sst s4  }
0xd: {  	[smem:$0x3FA7] =	sst s5  }
0xe: {  	[smem:$0x3FA8] =	sst s6  }
0xf: {  	[smem:$0x3FA9] =	sst s7  }
0x10: {  	[smem:$0x3FAA] =	sst s8  }
0x11: {  	[smem:$0x3FAB] =	sst s9;
	s0 =	simm.s32 @!p0 $0x0  }
0x12: {  	s1 =	sld [smem:$0x3F91];
	s0 =	simm.s32 @p0 $0x1  }
0x13: {  	[smem:$0x3FAC] =	sst s0;
	s0 =	simm.s32 @!p1 $0x0  }
0x14: {  	s2 =	sld [smem:$0x3F90];
	s0 =	simm.s32 @p1 $0x1  }
0x15: {  	[smem:$0x3FAD] =	sst s0;
	s0 =	simm.s32 @!p2 $0x0  }
0x16: {  	s3 =	sld [smem:$0x3FDB];
	s0 =	simm.s32 @p2 $0x1  }
0x17: {  	s4 =	simm.s32 $0x1BF5;
	[smem:$0x3FAF] =	sst s0  }
0x18: {  	s0 =	sld [smem:$0x3F92];
	_ =	swait.ge [sflag:s4], $0x0  }
0x19: {  	s7 =	sld [smem:$0x3F93]  }
0x1a: {  	s8 =	sadd.s32 $0xFFFFE003, lr  }
0x1b: {  	s9 =	sadd.s32 $0xFFFFFEF7, lr;
	s5 =	simm.s32 $0xFFFFFFFF;
	p2 =	slt.u32 s8, $0xFFFFF086  }
0x1c: {  	p1 =	slt.u32 s9, $0xF7A;
	s5 =	simm.s32 @!p2 $0x0  }
0x1d: {  	s5 =	simm.s32 @p1 $0x1;
	p0 =	seq.s32 s7, s2  }
0x1e: {  	s7 =	smul.u32 @!p0 $0xF7A, s2;
	p2 =	seq.s32 @!p0 s5, $0x0  }
0x1f: {  	s9 =	smul.u32 $0xF7A, s1;
	s8 =	simm.s32 @!p0 $0x1BF5;
	p2 =	por !p2, p0  }
0x20: {  	[sflag:s8] =	ssyncset.s32 @!p0 $0xFFFFF086;
	s6 =	sadd.s32 @!p0 s3, s7;
	s7 =	simm.s32 @!p0 $0x108  }
0x21: {  	s3 =	sadd.s32 s3, s9;
	s6 =	sadd.s32 @!p0 $0x88, s6;
	s7 =	simm.s32 @p2 $0x1082  }
0x22: {  	[simem:s7], [sflag:s8] =	dma.local @!p0 [hbm:s6], $0xF7A  }
0x23: {  	s9 =	sor.u32 $0xD0000000, s2;
	s6 =	simm.s32 $0x108;
	_ =	swait.ge @!p0 [sflag:s8], $0x0  }
0x24: {  	s3 =	sadd.s32 $0x88, s3;
	s6 =	simm.s32 @!p1 $0x1082;
	[sflag:s4] =	ssyncset.s32 $0xFFFFF086  }
0x25: {  	[simem:s6], [sflag:s4] =	dma.local [hbm:s3], $0xF7A  }
0x26: {  	[smem:$0x3F93] =	sst s1;
	(tag) =	ssettag s2;
	_ =	strace s9  }
0x27: {  	s1 =	sld [smem:$0x3FA3]  }
0x28: {  	s2 =	sld [smem:$0x3FA4]  }
0x29: {  	s4 =	sld [smem:$0x3FA6]  }
0x2a: {  	p0 =	seq.s32 s5, $0x0;
	s5 =	sld [smem:$0x3FA7]  }
0x2b: {  	s6 =	sld [smem:$0x3FA8]  }
0x2c: {  	s7 =	sld [smem:$0x3FA9]  }
0x2d: {  	s3 =	simm.s32 $0x108;
	s8 =	sld [smem:$0x3FAA]  }
0x2e: {  	s3 =	simm.s32 @!p0 $0x1082;
	s9 =	sld [smem:$0x3FAB]  }
0x2f: {  	lr =	sadd.s32 s0, s3;
	s0 =	sld [smem:$0x3FA2]  }
0x30: {  	s3 =	sld [smem:$0x3FA5]  }
0x31: {  	[smem:$0x3FAE] =	sst s10  }
0x32: {  	s10 =	sld [smem:$0x3FAC];
	_ =	sdelay $0x3  }
0x33: {  	p0 =	seq.s32 s10, $0x1;
	s10 =	sld [smem:$0x3FAE];
	_ =	sdelay $0x3  }
0x34: {  	[smem:$0x3FAE] =	sst s10  }
0x35: {  	s10 =	sld [smem:$0x3FAD];
	_ =	sdelay $0x3  }
0x36: {  	p1 =	seq.s32 s10, $0x1;
	s10 =	sld [smem:$0x3FAE];
	_ =	sdelay $0x3  }
0x37: {  	[smem:$0x3FAE] =	sst s10  }
0x38: {  	s10 =	sld [smem:$0x3FAF]  }
0x39: {  	_ = 	snop;
	(pc) =	sbr.ind lr, $3  }
0x3a: {  	_ = 	snop  }
0x3b: {  	_ = 	snop  }
0x3c: {  	p2 =	seq.s32 s10, $0x1;
	s10 =	sld [smem:$0x3FAE]  }
0x3d: {  	_ =	shalt  }
0x3e: {  	_ =	shalt  }
0x3f: {  	_ =	shalt  }
0x40: {  	_ =	shalt  }
0x41: {  	_ =	shalt  }
0x42: {  	_ =	shalt  }
0x43: {  	_ =	shalt  }
0x44: {  	_ =	shalt  }
0x45: {  	_ =	shalt  }
0x46: {  	_ =	shalt  }
0x47: {  	_ =	shalt  }
0x48: {  	_ =	shalt  }
0x49: {  	_ =	shalt  }
0x4a: {  	_ =	shalt  }
0x4b: {  	_ =	shalt  }
0x4c: {  	_ =	shalt  }
0x4d: {  	_ =	shalt  }
0x4e: {  	_ =	shalt  }
0x4f: {  	_ =	shalt  }
0x50: {  	_ =	shalt  }
0x51: {  	_ =	shalt  }
0x52: {  	_ =	shalt  }
0x53: {  	_ =	shalt  }
0x54: {  	_ =	shalt  }
0x55: {  	_ =	shalt  }
0x56: {  	_ =	shalt  }
0x57: {  	_ =	shalt  }
0x58: {  	_ =	shalt  }
0x59: {  	_ =	shalt  }
0x5a: {  	_ =	shalt  }
0x5b: {  	_ =	shalt  }
0x5c: {  	_ =	shalt  }
0x5d: {  	_ =	shalt  }
0x5e: {  	_ =	shalt  }
0x5f: {  	_ =	shalt  }
0x60: {  	_ =	shalt  }
0x61: {  	_ =	shalt  }
0x62: {  	_ =	shalt  }
0x63: {  	_ =	shalt  }
0x64: {  	_ =	shalt  }
0x65: {  	_ =	shalt  }
0x66: {  	_ =	shalt  }
0x67: {  	_ =	shalt  }
0x68: {  	_ =	shalt  }
0x69: {  	_ =	shalt  }
0x6a: {  	_ =	shalt  }
0x6b: {  	_ =	shalt  }
0x6c: {  	_ =	shalt  }
0x6d: {  	_ =	shalt  }
0x6e: {  	_ =	shalt  }
0x6f: {  	_ =	shalt  }
0x70: {  	_ =	shalt  }
0x71: {  	_ =	shalt  }
0x72: {  	_ =	shalt  }
0x73: {  	_ =	shalt  }
0x74: {  	_ =	shalt  }
0x75: {  	_ =	shalt  }
0x76: {  	_ =	shalt  }
0x77: {  	_ =	shalt  }
0x78: {  	_ =	shalt  }
0x79: {  	_ =	shalt  }
0x7a: {  	_ =	shalt  }
0x7b: {  	_ =	shalt  }
0x7c: {  	_ =	shalt  }
0x7d: {  	_ =	shalt  }
0x7e: {  	_ =	shalt  }
0x7f: {  	_ =	shalt  }
0x80: {  	_ =	shalt  }
0x81: {  	_ =	shalt  }
0x82: {  	_ =	shalt  }
0x83: {  	_ =	shalt  }
0x84: {  	_ =	shalt  }
0x85: {  	_ =	shalt  }
0x86: {  	_ =	shalt  }
0x87: {  	_ =	shalt  }
.Lfunc_end0:
.L_simem_size_0:
called_computation.2_lowered:
.L_overlay_start_0:
0x88: {  	s2 =	sld [smem:$0x3FD9]  }
0x89: {  	s3 =	sld [smem:$0x3FFE];
	_ =	sdelay $0x1  }
0x8a: {  	s1 =	srdreg.scid  }
0x8b: {  	s0 =	sand.u32 $0x1, s1  }
0x8c: {  	s16 =	sshll.u32 s0, $0xA;
	s2 =	sadd.s32 s3, s2  }
0x8d: {  	s2 =	sadd.s32 s2, s16  }
0x8e: {  	[smem:$0x3FBA] =	sst s2  }
0x8f: {  	_ = 	snop  }
0x90: {  	(tm) =	ssettm $0x1  }
0x91: {  	s17 =	sld [smem:$0x3FFB];
	_ =	sdelay $0x3  }
0x92: {  	_ =	strace s17  }
0x93: {  	s2 =	sld [smem:$0x3FFC];
	_ =	sdelay $0x3  }
0x94: {  	_ =	strace s2  }
0x95: {  	s2 =	sld [smem:$0x3FFD];
	_ =	sdelay $0x3  }
0x96: {  	_ =	strace s2  }
0x97: {  	_ =	strace $0x8FFFFFFF  }
0x98: {  	s18 =	sld [smem:$0x3FDB];
	_ =	sdelay $0x1  }
0x99: {  	s19 =	simm.s32 $_scs_section_size  }
0x9a: {  	s4 =	simm.s32 $_size__tile_overlayer_lowered;
	s5 =	simm.s32 $_tile_overlayer_lowered  }
0x9b: {  	s22 =	simm.s32 $0x1BFF;
	s21 =	sshll.u32 s5, $0x1;
	s2 =	sadd.s32 s19, s18  }
0x9c: {  	s6 =	simm.s32 $0x0;
	s20 =	sshll.u32 s4, $0x1;
	s4 =	sadd.s32 s21, s2  }
0x9d: {  	[timem:s6], [sflag:s22] =	dma.local [hbm:s4], s20  }
0x9e: {  	_ =	swait.ge [sflag:s22], s20  }
0x9f: {  	s3 =	ssub.s32 $0x0, s20;
	[sflag:s22] =	ssyncset.done $0x0  }
0xa0: {  	[sflag:s22] =	ssyncadd.s32 s3;
	_ =	sdelay $0x1  }
0xa1: {  	s23 =	simm.s32 $0x1B8B  }
0xa2: {  	_ =	swait.ge [sflag:s23], $0x1  }
0xa3: {  	[sflag:s23] =	ssyncset.done $0x0  }
0xa4: {  	s25 =	simm.s32 $0x1B8E;
	s24 =	sld [smem:$0x3FFE];
	[sflag:s23] =	ssyncadd.s32 $0xFFFFFFFF  }
0xa5: {  	s26 =	simm.s32 $execute0_lowered;
	[smem:$0x3FD2] =	sst s25  }
0xa6: {  	s4 =	sshll.u32 s26, $0x1;
	_ =	strace $0x8000004C;
	[dreg:$0x1] =	wrdreg $0xFFFFFFFF  }
0xa7: {  	s28 =	simm.s32 $_size_execute0_lowered;
	s2 =	sadd.s32 s2, s4;
	[dreg:$0x0] =	wrdreg $0x0  }
0xa8: {  	s4 =	sshll.u32 s28, $0x1;
	[dreg:$0x2] =	wrdreg s2  }
0xa9: {  	[dreg:$0x3] =	wrdreg s4  }
0xaa: {  	[dreg:$0x4] =	wrdreg $0xC0  }
0xab: {  	_ =	task [dreg:s6], $0x5FFFF  }
0xac: {  	[dreg:$0x1] =	wrdreg $0xFFFFFFFF  }
0xad: {  	[dreg:$0x0] =	wrdreg $0x60  }
0xae: {  	[dreg:$0x2] =	wrdreg s24  }
0xaf: {  	[dreg:$0x3] =	wrdreg $0x7E800  }
0xb0: {  	[dreg:$0x4] =	wrdreg $0x9  }
0xb1: {  	_ =	task.clear_ibuf [dreg:s6], $0x5FFFF;
	_ =	strace $0x9000004C  }
0xb2: {  	s29 =	simm.s32 $0x9;
	_ =	strace $0x8000004E  }
0xb3: {  	_ =	swait.ge [sflag:s29], $0x1  }
0xb4: {  	[sflag:s29] =	ssyncadd.s32 $0xFFFFFFFF  }
0xb5: {  	_ =	strace $0x9000004E  }
0xb6: {  	_ =	sfence  }
0xb7: {  	s30 =	sld [smem:$0x0];
	_ =	sdelay $0x2  }
0xb8: {  	s31 =	sshll.u32 s1, $0xD;
	s1 =	sshrl.u32 s1, $0x2  }
0xb9: {  	s3 =	sand.u32 $0x4000, s31;
	s1 =	sadd.s32 s1, s30  }
0xba: {  	s0 =	sor.u32 s3, s0;
	s1 =	sshll.u32 s1, $0x11  }
0xbb: {  	s0 =	sor.u32 s1, s0  }
0xbc: {  	s0 =	sadd.s32 $0x8F2B, s0  }
0xbd: {  	[sflag:s0] =	ssyncadd.remote.s32 $0x1  }
0xbe: {  	_ =	sfence.sel $0xFFFF  }
0xbf: {  	[dreg:$0x0] =	wrdreg $0xFFFFFFFF;
	(pc) =	sbr.abs _section_cstart, $3  }
0xc0: {  	[dreg:$0x1] =	wrdreg $0xFFFFFFFF  }
0xc1: {  	_ =	task.clear_ibuf [dreg:s6], $0x2FFFF;
	_ =	strace $0x9FFFFFFF  }
0xc2: {  	(tm) =	ssettm $0x7FFFFFFF  }
0xc3: {  	_ =	shalt  }
tec
execute0_lowered:
.L_overlay_start_1:
0x0: {  	(tag) =	ssettag $0x1  }
0x1: {  	s6 =	rddreg [dreg:$0x0]  }
0x2: {  	s0 =	srdreg.scid;
	s2 =	rddreg [dreg:$0x1];
	s3 =	simm.s32 $0x0  }
0x3: {  	s12 =	simm.s32 $0x2;
	s13 =	simm.s32 $0x2780;
	s14 =	simm.s32 $0x80  }
0x4: {  	s15 =	simm.s32 $0x4F00;
	s16 =	simm.s32 $0x1;
	s17 =	simm.s32 $0x0  }
0x5: {  	s5 =	sand.u32 $0x1, s0;
	s0 =	stileid.u32;
	[smem:$0x7FF] =	sst s3  }
0x6: {  	s4 =	sadd.s32 $0x1C00, s6;
	s1 =	sshll.u32 s5, $0x4;
	s8 =	smul.u32 $0x2780, s0  }
0x7: {  	s9 =	smul.u32 $0x27800, s5;
	s5 =	ssub.s32 $0x2, s5;
	s1 =	sor.u32 s0, s1  }
0x8: {  	s11 =	sshrl.u32 s5, $0x1;
	s7 =	smul.u32 $0x4F0, s1;
	s1 =	rddreg [dreg:$0x2]  }
0x9: {  	_ =	strace $0x8000004D;
	s31 =	sshrl.u32 s8, $0x3;
	s9 =	sadd.s32 s8, s9  }
0xa: {  	s11 =	ssub.s32 s5, s11;
	s9 =	sshrl.u32 s9, $0x3;
	s10 =	sadd.s32 s7, s6  }
0xb: {  	s7 =	sadd.s32 s31, s6;
	s9 =	sadd.s32 s9, s6;
	s6 =	sadd.s32 s8, s2  }
0xc: {  	s5 =	sadd.s32 $0xBA00, s7;
	s7 =	sadd.s32 $0x28E00, s10;
	s8 =	sadd.s32 $0x32C00, s10  }
0xd: {  	s9 =	sadd.s32 $0x10A00, s9;
	s10 =	smax.u32 s11, $0x1;
	s11 =	simm.s32 $0x5700  }
.LBB2_1:
0xe: {  	[tilespmem:s11], [sflag:$0x2] =	stream.linear.gather [hbm4b:s5+s3], $0x2780, $0x38;
	[tilespmem:$0xA600] =	vst v63  }
0xf: {  	_ =	swait.ge [sflag:s12], $0x2780  }
0x10: {  	[sflag:s12] =	ssyncset.done $0x0  }
0x11: {  	[sflag:s12] =	ssyncadd.s32 $0xFFFFD880  }
0x12: {  	[spmem:s6] =	stream.linear.scatter [tilespmem:s11], [sflag:$0x2], $0x2780, $0x38;
	[tilespmem:$0xA600] =	vst v63  }
0x13: {  	_ =	swait.ge [sflag:s12], $0x2780  }
0x14: {  	[sflag:s12] =	ssyncset.done $0x0  }
0x15: {  	[sflag:s12] =	ssyncadd.s32 $0xFFFFD880  }
0x16: {  	[tilespmem:s3], [sflag:$0x2] =	stream.linear.gather [hbm4b:s7+s3], $0x2780, $0x38;
	[tilespmem:$0xA600] =	vst v63  }
0x17: {  	_ =	swait.ge [sflag:s12], $0x2780  }
0x18: {  	[sflag:s12] =	ssyncset.done $0x0  }
0x19: {  	[sflag:s12] =	ssyncadd.s32 $0xFFFFD880  }
0x1a: {  	[tilespmem:s13], [sflag:$0x2] =	stream.linear.gather [hbm4b:s8+s3], $0x2780, $0x38;
	[tilespmem:$0xA600] =	vst v63  }
0x1b: {  	_ =	swait.ge [sflag:s12], $0x2780  }
0x1c: {  	[sflag:s12] =	ssyncset.done $0x0  }
0x1d: {  	[sflag:s12] =	ssyncadd.s32 $0xFFFFD880  }
0x1e: {  	s18 =	simm.s32 $0x0;
	[bflag:$0x0] =	sbarrier.arrive $0xFFFF  }
0x1f: {  	[tilespmem:s15], [sflag:$0x1] =	stream.indirect.gather [hbm4b:s4+s14], $0x10, s18, s14, $0xb8;
	[tilespmem:$0xA600] =	vst v63  }
0x20: {  	_ =	swait.ge [sflag:s16], $0x800  }
0x21: {  	[sflag:s16] =	ssyncset.done $0x0  }
0x22: {  	s31 =	simm.s32 $0x2780;
	[sflag:s16] =	ssyncadd.s32 $0xFFFFF800  }
0x23: {  	[spmem:s2] =	stream.indirect.scatter.add.f32 [tilespmem:s15], [sflag:$0x2], $0x10, s31, s14, $0xb8;
	[tilespmem:$0xA600] =	vst v63  }
0x24: {  	_ =	swait.ge [sflag:s12], $0x800  }
0x25: {  	s19 =	simm.s32 $0x400;
	s18 =	simm.s32 $0x200;
	[sflag:s12] =	ssyncset.done $0x0  }
.LBB2_2:
0x26: {  	s20 =	sshra.s32 s18, $0x2  }
0x27: {  	[sflag:s12] =	ssyncadd.s32 $0xFFFFF800;
	s18 =	smov.u32 s19;
	s21 =	sadd.s32 $0x200, s19  }
0x28: {  	[tilespmem:s15], [sflag:$0x1] =	stream.indirect.gather [hbm4b:s4+s14], $0x10, s20, s14, $0xb8;
	[tilespmem:$0xA600] =	vst v63  }
0x29: {  	p0 =	sne.s32 s19, $0x9C00;
	_ =	swait.ge [sflag:s16], $0x800  }
.Ltmp0:
0x2a: {  	[sflag:s16] =	ssyncset.done $0x0;
	(pc) =	sbr.rel @p0 .LBB2_2-.Ltmp0, $4  }
0x2b: {  	s19 =	sadd.s32 $0x2780, s20;
	[sflag:s16] =	ssyncadd.s32 $0xFFFFF800  }
0x2c: {  	[spmem:s2] =	stream.indirect.scatter.add.f32 [tilespmem:s15], [sflag:$0x2], $0x10, s19, s14, $0xb8;
	[tilespmem:$0xA600] =	vst v63  }
0x2d: {  	_ =	swait.ge [sflag:s12], $0x800  }
0x2e: {  	s19 =	smov.u32 s21;
	[sflag:s12] =	ssyncset.done $0x0  }
0x2f: {  	s18 =	sshra.s32 s18, $0x2;
	[sflag:s12] =	ssyncadd.s32 $0xFFFFF800  }
0x30: {  	[tilespmem:s15], [sflag:$0x1] =	stream.indirect.gather [hbm4b:s4+s14], $0x10, s18, s14, $0xb8;
	[tilespmem:$0xA600] =	vst v63  }
0x31: {  	_ =	swait.ge [sflag:s16], $0x800  }
0x32: {  	[sflag:s16] =	ssyncset.done $0x0  }
0x33: {  	s18 =	sadd.s32 $0x2780, s18;
	[sflag:s16] =	ssyncadd.s32 $0xFFFFF800  }
0x34: {  	[spmem:s2] =	stream.indirect.scatter.add.f32 [tilespmem:s15], [sflag:$0x2], $0x10, s18, s14, $0xb8;
	[tilespmem:$0xA600] =	vst v63  }
0x35: {  	_ =	swait.ge [sflag:s12], $0x800  }
0x36: {  	[sflag:s12] =	ssyncset.done $0x0  }
0x37: {  	[sflag:s12] =	ssyncadd.s32 $0xFFFFF800  }
0x38: {  	[bflag:$0x0] =	sbarrier.arrive $0xFFFF  }
0x39: {  	[tilespmem:s11], [sflag:$0x2] =	stream.linear.gather [spmem:s6], $0x2780, $0x38;
	[tilespmem:$0xA600] =	vst v63  }
0x3a: {  	s17 =	sadd.s32 $0x1, s17;
	_ =	swait.ge [sflag:s12], $0x2780  }
0x3b: {  	p0 =	sne.s32 s17, s10;
	[sflag:s12] =	ssyncset.done $0x0  }
.Ltmp1:
0x3c: {  	[sflag:s12] =	ssyncadd.s32 $0xFFFFD880;
	(pc) =	sbr.rel @p0 .LBB2_1-.Ltmp1, $4  }
0x3d: {  	[hbm4b:s9+s3] =	stream.linear.scatter [tilespmem:s11], [sflag:$0x2], $0x2780, $0x38;
	[tilespmem:$0xA600] =	vst v63  }
0x3e: {  	_ =	swait.ge [sflag:s12], $0x2780  }
0x3f: {  	[sflag:s12] =	ssyncset.done $0x0  }
0x40: {  	[sflag:s12] =	ssyncadd.s32 $0xFFFFD880  }
0x41: {  	_ =	sfence.sel $0x180000  }
0x42: {  	[bflag:$0x0] =	sbarrier.arrive $0xFFFF  }
0x43: {  	p0 =	sne.s32 s0, $0x0;
	_ =	strace $0x9000004D  }
0x44: {  	s0 =	sadd.s32 @!p0 $0x100000, s1;
	[bflag:$0x2] =	sbarrier.arrive $0xFFFF  }
0x45: {  	[sflag:s0] =	ssyncadd.tile.s32 @!p0 $0x1;
	_ =	shalt  }
.Lfunc_end2:
_tile_overlayer_lowered:
.L_overlay_start_2:
0x46: {  	(tag) =	ssettag $0x2  }
0x47: {  	s0 =	rddreg [dreg:$0x0];
	s2 =	stileid.u32  }
0x48: {  	s1 =	rddreg [dreg:$0x1];
	p0 =	sne.s32 s2, $0x0  }
0x49: {  	s3 =	rddreg [dreg:$0x2];
	[bflag:$0x3] =	sbarrier.arrive $0xFFFF;
	s2 =	simm.s32 @!p0 $0x1C02  }
0x4a: {  	[timem:s3], [sflag:s2] =	dma.local @!p0 [hbm:s0], s1  }
0x4b: {  	s0 =	simm.s32 @!p0 $0x2  }
0x4c: {  	_ =	swait.ge @!p0 [sflag:s0], s1  }
0x4d: {  	s1 =	ssub.s32 @!p0 $0x0, s1;
	[sflag:s0] =	ssyncset.done @!p0 $0x0  }
0x4e: {  	[sflag:s0] =	ssyncadd.s32 @!p0 s1  }
0x4f: {  	[bflag:$0x3] =	sbarrier.arrive $0xFFFF  }
0x50: {  	_ =	shalt  }

// kernel: kernel.9.cloned.1.call-start
scs
__scs_entry_jumppad:
0x0: {  	(pc) =	sbr.rel $0x88, $3  }
0x1: {  	(tag) =	ssettag $0x0;
	lr =	simm.s32 $0x1  }
0x2: {  	[smem:$0x3F93] =	sst lr;
	_ =	strace $0xD0000000  }
0x3: {  	_ = 	snop  }
0x4: {  	_ = 	snop  }
0x5: {  	_ = 	snop  }
0x6: {  	_ = 	snop  }
0x7: {  	_ = 	snop  }
__scs_overlays_trampoline_lowered:
0x8: {  	[smem:$0x3FA2] =	sst s0  }
0x9: {  	[smem:$0x3FA3] =	sst s1  }
0xa: {  	[smem:$0x3FA4] =	sst s2  }
0xb: {  	[smem:$0x3FA5] =	sst s3  }
0xc: {  	[smem:$0x3FA6] =	sst s4  }
0xd: {  	[smem:$0x3FA7] =	sst s5  }
0xe: {  	[smem:$0x3FA8] =	sst s6  }
0xf: {  	[smem:$0x3FA9] =	sst s7  }
0x10: {  	[smem:$0x3FAA] =	sst s8  }
0x11: {  	[smem:$0x3FAB] =	sst s9;
	s0 =	simm.s32 @!p0 $0x0  }
0x12: {  	s1 =	sld [smem:$0x3F91];
	s0 =	simm.s32 @p0 $0x1  }
0x13: {  	[smem:$0x3FAC] =	sst s0;
	s0 =	simm.s32 @!p1 $0x0  }
0x14: {  	s2 =	sld [smem:$0x3F90];
	s0 =	simm.s32 @p1 $0x1  }
0x15: {  	[smem:$0x3FAD] =	sst s0;
	s0 =	simm.s32 @!p2 $0x0  }
0x16: {  	s3 =	sld [smem:$0x3FDB];
	s0 =	simm.s32 @p2 $0x1  }
0x17: {  	s4 =	simm.s32 $0x1BF5;
	[smem:$0x3FAF] =	sst s0  }
0x18: {  	s0 =	sld [smem:$0x3F92];
	_ =	swait.ge [sflag:s4], $0x0  }
0x19: {  	s7 =	sld [smem:$0x3F93]  }
0x1a: {  	s8 =	sadd.s32 $0xFFFFE003, lr  }
0x1b: {  	s9 =	sadd.s32 $0xFFFFFEF7, lr;
	s5 =	simm.s32 $0xFFFFFFFF;
	p2 =	slt.u32 s8, $0xFFFFF086  }
0x1c: {  	p1 =	slt.u32 s9, $0xF7A;
	s5 =	simm.s32 @!p2 $0x0  }
0x1d: {  	s5 =	simm.s32 @p1 $0x1;
	p0 =	seq.s32 s7, s2  }
0x1e: {  	s7 =	smul.u32 @!p0 $0xF7A, s2;
	p2 =	seq.s32 @!p0 s5, $0x0  }
0x1f: {  	s9 =	smul.u32 $0xF7A, s1;
	s8 =	simm.s32 @!p0 $0x1BF5;
	p2 =	por !p2, p0  }
0x20: {  	[sflag:s8] =	ssyncset.s32 @!p0 $0xFFFFF086;
	s6 =	sadd.s32 @!p0 s3, s7;
	s7 =	simm.s32 @!p0 $0x108  }
0x21: {  	s3 =	sadd.s32 s3, s9;
	s6 =	sadd.s32 @!p0 $0x88, s6;
	s7 =	simm.s32 @p2 $0x1082  }
0x22: {  	[simem:s7], [sflag:s8] =	dma.local @!p0 [hbm:s6], $0xF7A  }
0x23: {  	s9 =	sor.u32 $0xD0000000, s2;
	s6 =	simm.s32 $0x108;
	_ =	swait.ge @!p0 [sflag:s8], $0x0  }
0x24: {  	s3 =	sadd.s32 $0x88, s3;
	s6 =	simm.s32 @!p1 $0x1082;
	[sflag:s4] =	ssyncset.s32 $0xFFFFF086  }
0x25: {  	[simem:s6], [sflag:s4] =	dma.local [hbm:s3], $0xF7A  }
0x26: {  	[smem:$0x3F93] =	sst s1;
	(tag) =	ssettag s2;
	_ =	strace s9  }
0x27: {  	s1 =	sld [smem:$0x3FA3]  }
0x28: {  	s2 =	sld [smem:$0x3FA4]  }
0x29: {  	s4 =	sld [smem:$0x3FA6]  }
0x2a: {  	p0 =	seq.s32 s5, $0x0;
	s5 =	sld [smem:$0x3FA7]  }
0x2b: {  	s6 =	sld [smem:$0x3FA8]  }
0x2c: {  	s7 =	sld [smem:$0x3FA9]  }
0x2d: {  	s3 =	simm.s32 $0x108;
	s8 =	sld [smem:$0x3FAA]  }
0x2e: {  	s3 =	simm.s32 @!p0 $0x1082;
	s9 =	sld [smem:$0x3FAB]  }
0x2f: {  	lr =	sadd.s32 s0, s3;
	s0 =	sld [smem:$0x3FA2]  }
0x30: {  	s3 =	sld [smem:$0x3FA5]  }
0x31: {  	[smem:$0x3FAE] =	sst s10  }
0x32: {  	s10 =	sld [smem:$0x3FAC];
	_ =	sdelay $0x3  }
0x33: {  	p0 =	seq.s32 s10, $0x1;
	s10 =	sld [smem:$0x3FAE];
	_ =	sdelay $0x3  }
0x34: {  	[smem:$0x3FAE] =	sst s10  }
0x35: {  	s10 =	sld [smem:$0x3FAD];
	_ =	sdelay $0x3  }
0x36: {  	p1 =	seq.s32 s10, $0x1;
	s10 =	sld [smem:$0x3FAE];
	_ =	sdelay $0x3  }
0x37: {  	[smem:$0x3FAE] =	sst s10  }
0x38: {  	s10 =	sld [smem:$0x3FAF]  }
0x39: {  	_ = 	snop;
	(pc) =	sbr.ind lr, $3  }
0x3a: {  	_ = 	snop  }
0x3b: {  	_ = 	snop  }
0x3c: {  	p2 =	seq.s32 s10, $0x1;
	s10 =	sld [smem:$0x3FAE]  }
0x3d: {  	_ =	shalt  }
0x3e: {  	_ =	shalt  }
0x3f: {  	_ =	shalt  }
0x40: {  	_ =	shalt  }
0x41: {  	_ =	shalt  }
0x42: {  	_ =	shalt  }
0x43: {  	_ =	shalt  }
0x44: {  	_ =	shalt  }
0x45: {  	_ =	shalt  }
0x46: {  	_ =	shalt  }
0x47: {  	_ =	shalt  }
0x48: {  	_ =	shalt  }
0x49: {  	_ =	shalt  }
0x4a: {  	_ =	shalt  }
0x4b: {  	_ =	shalt  }
0x4c: {  	_ =	shalt  }
0x4d: {  	_ =	shalt  }
0x4e: {  	_ =	shalt  }
0x4f: {  	_ =	shalt  }
0x50: {  	_ =	shalt  }
0x51: {  	_ =	shalt  }
0x52: {  	_ =	shalt  }
0x53: {  	_ =	shalt  }
0x54: {  	_ =	shalt  }
0x55: {  	_ =	shalt  }
0x56: {  	_ =	shalt  }
0x57: {  	_ =	shalt  }
0x58: {  	_ =	shalt  }
0x59: {  	_ =	shalt  }
0x5a: {  	_ =	shalt  }
0x5b: {  	_ =	shalt  }
0x5c: {  	_ =	shalt  }
0x5d: {  	_ =	shalt  }
0x5e: {  	_ =	shalt  }
0x5f: {  	_ =	shalt  }
0x60: {  	_ =	shalt  }
0x61: {  	_ =	shalt  }
0x62: {  	_ =	shalt  }
0x63: {  	_ =	shalt  }
0x64: {  	_ =	shalt  }
0x65: {  	_ =	shalt  }
0x66: {  	_ =	shalt  }
0x67: {  	_ =	shalt  }
0x68: {  	_ =	shalt  }
0x69: {  	_ =	shalt  }
0x6a: {  	_ =	shalt  }
0x6b: {  	_ =	shalt  }
0x6c: {  	_ =	shalt  }
0x6d: {  	_ =	shalt  }
0x6e: {  	_ =	shalt  }
0x6f: {  	_ =	shalt  }
0x70: {  	_ =	shalt  }
0x71: {  	_ =	shalt  }
0x72: {  	_ =	shalt  }
0x73: {  	_ =	shalt  }
0x74: {  	_ =	shalt  }
0x75: {  	_ =	shalt  }
0x76: {  	_ =	shalt  }
0x77: {  	_ =	shalt  }
0x78: {  	_ =	shalt  }
0x79: {  	_ =	shalt  }
0x7a: {  	_ =	shalt  }
0x7b: {  	_ =	shalt  }
0x7c: {  	_ =	shalt  }
0x7d: {  	_ =	shalt  }
0x7e: {  	_ =	shalt  }
0x7f: {  	_ =	shalt  }
0x80: {  	_ =	shalt  }
0x81: {  	_ =	shalt  }
0x82: {  	_ =	shalt  }
0x83: {  	_ =	shalt  }
0x84: {  	_ =	shalt  }
0x85: {  	_ =	shalt  }
0x86: {  	_ =	shalt  }
0x87: {  	_ =	shalt  }
.Lfunc_end0:
.L_simem_size_0:
called_computation_lowered:
.L_overlay_start_0:
0x88: {  	s2 =	sld [smem:$0x3FD9]  }
0x89: {  	s3 =	sld [smem:$0x3FFE];
	_ =	sdelay $0x1  }
0x8a: {  	s1 =	srdreg.scid  }
0x8b: {  	s0 =	sand.u32 $0x1, s1  }
0x8c: {  	s16 =	sshll.u32 s0, $0xA;
	s2 =	sadd.s32 s3, s2  }
0x8d: {  	s2 =	sadd.s32 s2, s16  }
0x8e: {  	[smem:$0x3FBA] =	sst s2  }
0x8f: {  	_ = 	snop  }
0x90: {  	(tm) =	ssettm $0x1  }
0x91: {  	s17 =	sld [smem:$0x3FFB];
	_ =	sdelay $0x3  }
0x92: {  	_ =	strace s17  }
0x93: {  	s2 =	sld [smem:$0x3FFC];
	_ =	sdelay $0x3  }
0x94: {  	_ =	strace s2  }
0x95: {  	s2 =	sld [smem:$0x3FFD];
	_ =	sdelay $0x3  }
0x96: {  	_ =	strace s2  }
0x97: {  	_ =	strace $0x8FFFFFFF  }
0x98: {  	s18 =	sld [smem:$0x3FDB];
	_ =	sdelay $0x1  }
0x99: {  	s19 =	simm.s32 $_scs_section_size  }
0x9a: {  	s4 =	simm.s32 $_size__tile_overlayer_lowered;
	s5 =	simm.s32 $_tile_overlayer_lowered  }
0x9b: {  	s22 =	simm.s32 $0x1BFF;
	s21 =	sshll.u32 s5, $0x1;
	s2 =	sadd.s32 s19, s18  }
0x9c: {  	s6 =	simm.s32 $0x0;
	s20 =	sshll.u32 s4, $0x1;
	s4 =	sadd.s32 s21, s2  }
0x9d: {  	[timem:s6], [sflag:s22] =	dma.local [hbm:s4], s20  }
0x9e: {  	_ =	swait.ge [sflag:s22], s20  }
0x9f: {  	s3 =	ssub.s32 $0x0, s20;
	[sflag:s22] =	ssyncset.done $0x0  }
0xa0: {  	[sflag:s22] =	ssyncadd.s32 s3;
	_ =	sdelay $0x1  }
0xa1: {  	s23 =	simm.s32 $0x1B8B  }
0xa2: {  	_ =	swait.ge [sflag:s23], $0x1  }
0xa3: {  	[sflag:s23] =	ssyncset.done $0x0  }
0xa4: {  	s25 =	simm.s32 $0x1B8E;
	s24 =	sld [smem:$0x3FFE];
	[sflag:s23] =	ssyncadd.s32 $0xFFFFFFFF  }
0xa5: {  	s26 =	simm.s32 $execute0_lowered;
	[smem:$0x3FD2] =	sst s25  }
0xa6: {  	s4 =	sshll.u32 s26, $0x1;
	_ =	strace $0x80000046;
	[dreg:$0x1] =	wrdreg $0xFFFFFFFF  }
0xa7: {  	s28 =	simm.s32 $_size_execute0_lowered;
	s2 =	sadd.s32 s2, s4;
	[dreg:$0x0] =	wrdreg $0x0  }
0xa8: {  	s4 =	sshll.u32 s28, $0x1;
	[dreg:$0x2] =	wrdreg s2  }
0xa9: {  	[dreg:$0x3] =	wrdreg s4  }
0xaa: {  	[dreg:$0x4] =	wrdreg $0xC0  }
0xab: {  	_ =	task [dreg:s6], $0x5FFFF  }
0xac: {  	[dreg:$0x1] =	wrdreg $0xFFFFFFFF  }
0xad: {  	[dreg:$0x0] =	wrdreg $0x60  }
0xae: {  	[dreg:$0x2] =	wrdreg s24  }
0xaf: {  	[dreg:$0x3] =	wrdreg $0x10D000  }
0xb0: {  	[dreg:$0x4] =	wrdreg $0x9  }
0xb1: {  	_ =	task.clear_ibuf [dreg:s6], $0x5FFFF;
	_ =	strace $0x90000046  }
0xb2: {  	s29 =	simm.s32 $0x9;
	_ =	strace $0x80000048  }
0xb3: {  	_ =	swait.ge [sflag:s29], $0x1  }
0xb4: {  	[sflag:s29] =	ssyncadd.s32 $0xFFFFFFFF  }
0xb5: {  	_ =	strace $0x90000048  }
0xb6: {  	_ =	sfence  }
0xb7: {  	s30 =	sld [smem:$0x0];
	_ =	sdelay $0x2  }
0xb8: {  	s31 =	sshll.u32 s1, $0xD;
	s1 =	sshrl.u32 s1, $0x2  }
0xb9: {  	s3 =	sand.u32 $0x4000, s31;
	s1 =	sadd.s32 s1, s30  }
0xba: {  	s0 =	sor.u32 s3, s0;
	s1 =	sshll.u32 s1, $0x11  }
0xbb: {  	s0 =	sor.u32 s1, s0  }
0xbc: {  	s0 =	sadd.s32 $0x8F2B, s0  }
0xbd: {  	[sflag:s0] =	ssyncadd.remote.s32 $0x1  }
0xbe: {  	_ =	sfence.sel $0xFFFF  }
0xbf: {  	[dreg:$0x0] =	wrdreg $0xFFFFFFFF;
	(pc) =	sbr.abs _section_cstart, $3  }
0xc0: {  	[dreg:$0x1] =	wrdreg $0xFFFFFFFF  }
0xc1: {  	_ =	task.clear_ibuf [dreg:s6], $0x2FFFF;
	_ =	strace $0x9FFFFFFF  }
0xc2: {  	(tm) =	ssettm $0x7FFFFFFF  }
0xc3: {  	_ =	shalt  }
tec
execute0_lowered:
.L_overlay_start_1:
0x0: {  	(tag) =	ssettag $0x1  }
0x1: {  	s6 =	rddreg [dreg:$0x0]  }
0x2: {  	s0 =	srdreg.scid;
	s2 =	rddreg [dreg:$0x1];
	s3 =	simm.s32 $0x0  }
0x3: {  	s12 =	simm.s32 $0x2;
	s13 =	simm.s32 $0x2780;
	s14 =	simm.s32 $0x80  }
0x4: {  	s15 =	simm.s32 $0x4F00;
	s16 =	simm.s32 $0x1;
	s17 =	simm.s32 $0x0  }
0x5: {  	s5 =	sand.u32 $0x1, s0;
	s0 =	stileid.u32;
	[smem:$0x7FF] =	sst s3  }
0x6: {  	s4 =	sadd.s32 $0x1C00, s6;
	s1 =	sshll.u32 s5, $0x4;
	s8 =	smul.u32 $0x9E00, s0  }
0x7: {  	s9 =	smul.u32 $0x9E000, s5;
	s5 =	ssub.s32 $0x2, s5;
	s1 =	sor.u32 s0, s1  }
0x8: {  	s11 =	sshrl.u32 s5, $0x1;
	s7 =	smul.u32 $0x4F0, s1;
	s1 =	rddreg [dreg:$0x2]  }
0x9: {  	_ =	strace $0x80000047;
	s31 =	sshrl.u32 s8, $0x3;
	s9 =	sadd.s32 s8, s9  }
0xa: {  	s11 =	ssub.s32 s5, s11;
	s9 =	sshrl.u32 s9, $0x3;
	s10 =	sadd.s32 s7, s6  }
0xb: {  	s7 =	sadd.s32 s31, s6;
	s9 =	sadd.s32 s9, s6;
	s6 =	sadd.s32 s8, s2  }
0xc: {  	s5 =	sadd.s32 $0x3CA00, s7;
	s7 =	sadd.s32 $0x28E00, s10;
	s8 =	sadd.s32 $0x32C00, s10  }
0xd: {  	s9 =	sadd.s32 $0x50600, s9;
	s10 =	smax.u32 s11, $0x1;
	s11 =	simm.s32 $0x6F00  }
.LBB2_1:
0xe: {  	[tilespmem:s11], [sflag:$0x2] =	stream.linear.gather [hbm4b:s5+s3], $0x9E00, $0x38;
	[tilespmem:$0x1AB00] =	vst v63  }
0xf: {  	_ =	swait.ge [sflag:s12], $0x9E00  }
0x10: {  	[sflag:s12] =	ssyncset.done $0x0  }
0x11: {  	[sflag:s12] =	ssyncadd.s32 $0xFFFF6200  }
0x12: {  	[spmem:s6] =	stream.linear.scatter [tilespmem:s11], [sflag:$0x2], $0x9E00, $0x38;
	[tilespmem:$0x1AB00] =	vst v63  }
0x13: {  	_ =	swait.ge [sflag:s12], $0x9E00  }
0x14: {  	[sflag:s12] =	ssyncset.done $0x0  }
0x15: {  	[sflag:s12] =	ssyncadd.s32 $0xFFFF6200  }
0x16: {  	[tilespmem:s3], [sflag:$0x2] =	stream.linear.gather [hbm4b:s7+s3], $0x2780, $0x38;
	[tilespmem:$0x1AB00] =	vst v63  }
0x17: {  	_ =	swait.ge [sflag:s12], $0x2780  }
0x18: {  	[sflag:s12] =	ssyncset.done $0x0  }
0x19: {  	[sflag:s12] =	ssyncadd.s32 $0xFFFFD880  }
0x1a: {  	[tilespmem:s13], [sflag:$0x2] =	stream.linear.gather [hbm4b:s8+s3], $0x2780, $0x38;
	[tilespmem:$0x1AB00] =	vst v63  }
0x1b: {  	_ =	swait.ge [sflag:s12], $0x2780  }
0x1c: {  	[sflag:s12] =	ssyncset.done $0x0  }
0x1d: {  	[sflag:s12] =	ssyncadd.s32 $0xFFFFD880  }
0x1e: {  	s18 =	simm.s32 $0x0;
	[bflag:$0x0] =	sbarrier.arrive $0xFFFF  }
0x1f: {  	[tilespmem:s15], [sflag:$0x1] =	stream.indirect.gather [hbm4b:s4+s14], $0x40, s18, s14, $0xb8;
	[tilespmem:$0x1AB00] =	vst v63  }
0x20: {  	_ =	swait.ge [sflag:s16], $0x2000  }
0x21: {  	[sflag:s16] =	ssyncset.done $0x0  }
0x22: {  	s31 =	simm.s32 $0x2780;
	[sflag:s16] =	ssyncadd.s32 $0xFFFFE000  }
0x23: {  	[spmem:s2] =	stream.indirect.scatter.add.f32 [tilespmem:s15], [sflag:$0x2], $0x40, s31, s14, $0xb8;
	[tilespmem:$0x1AB00] =	vst v63  }
0x24: {  	_ =	swait.ge [sflag:s12], $0x2000  }
0x25: {  	s19 =	simm.s32 $0x400;
	s18 =	simm.s32 $0x200;
	[sflag:s12] =	ssyncset.done $0x0  }
.LBB2_2:
0x26: {  	s20 =	sshra.s32 s18, $0x2  }
0x27: {  	[sflag:s12] =	ssyncadd.s32 $0xFFFFE000;
	s18 =	smov.u32 s19;
	s21 =	sadd.s32 $0x200, s19  }
0x28: {  	[tilespmem:s15], [sflag:$0x1] =	stream.indirect.gather [hbm4b:s4+s14], $0x40, s20, s14, $0xb8;
	[tilespmem:$0x1AB00] =	vst v63  }
0x29: {  	p0 =	sne.s32 s19, $0x9C00;
	_ =	swait.ge [sflag:s16], $0x2000  }
.Ltmp0:
0x2a: {  	[sflag:s16] =	ssyncset.done $0x0;
	(pc) =	sbr.rel @p0 .LBB2_2-.Ltmp0, $4  }
0x2b: {  	s19 =	sadd.s32 $0x2780, s20;
	[sflag:s16] =	ssyncadd.s32 $0xFFFFE000  }
0x2c: {  	[spmem:s2] =	stream.indirect.scatter.add.f32 [tilespmem:s15], [sflag:$0x2], $0x40, s19, s14, $0xb8;
	[tilespmem:$0x1AB00] =	vst v63  }
0x2d: {  	_ =	swait.ge [sflag:s12], $0x2000  }
0x2e: {  	s19 =	smov.u32 s21;
	[sflag:s12] =	ssyncset.done $0x0  }
0x2f: {  	s18 =	sshra.s32 s18, $0x2;
	[sflag:s12] =	ssyncadd.s32 $0xFFFFE000  }
0x30: {  	[tilespmem:s15], [sflag:$0x1] =	stream.indirect.gather [hbm4b:s4+s14], $0x40, s18, s14, $0xb8;
	[tilespmem:$0x1AB00] =	vst v63  }
0x31: {  	_ =	swait.ge [sflag:s16], $0x2000  }
0x32: {  	[sflag:s16] =	ssyncset.done $0x0  }
0x33: {  	s18 =	sadd.s32 $0x2780, s18;
	[sflag:s16] =	ssyncadd.s32 $0xFFFFE000  }
0x34: {  	[spmem:s2] =	stream.indirect.scatter.add.f32 [tilespmem:s15], [sflag:$0x2], $0x40, s18, s14, $0xb8;
	[tilespmem:$0x1AB00] =	vst v63  }
0x35: {  	_ =	swait.ge [sflag:s12], $0x2000  }
0x36: {  	[sflag:s12] =	ssyncset.done $0x0  }
0x37: {  	[sflag:s12] =	ssyncadd.s32 $0xFFFFE000  }
0x38: {  	[bflag:$0x0] =	sbarrier.arrive $0xFFFF  }
0x39: {  	[tilespmem:s11], [sflag:$0x2] =	stream.linear.gather [spmem:s6], $0x9E00, $0x38;
	[tilespmem:$0x1AB00] =	vst v63  }
0x3a: {  	s17 =	sadd.s32 $0x1, s17;
	_ =	swait.ge [sflag:s12], $0x9E00  }
0x3b: {  	p0 =	sne.s32 s17, s10;
	[sflag:s12] =	ssyncset.done $0x0  }
.Ltmp1:
0x3c: {  	[sflag:s12] =	ssyncadd.s32 $0xFFFF6200;
	(pc) =	sbr.rel @p0 .LBB2_1-.Ltmp1, $4  }
0x3d: {  	[hbm4b:s9+s3] =	stream.linear.scatter [tilespmem:s11], [sflag:$0x2], $0x9E00, $0x38;
	[tilespmem:$0x1AB00] =	vst v63  }
0x3e: {  	_ =	swait.ge [sflag:s12], $0x9E00  }
0x3f: {  	[sflag:s12] =	ssyncset.done $0x0  }
0x40: {  	[sflag:s12] =	ssyncadd.s32 $0xFFFF6200  }
0x41: {  	_ =	sfence.sel $0x180000  }
0x42: {  	[bflag:$0x0] =	sbarrier.arrive $0xFFFF  }
0x43: {  	p0 =	sne.s32 s0, $0x0;
	_ =	strace $0x90000047  }
0x44: {  	s0 =	sadd.s32 @!p0 $0x100000, s1;
	[bflag:$0x2] =	sbarrier.arrive $0xFFFF  }
0x45: {  	[sflag:s0] =	ssyncadd.tile.s32 @!p0 $0x1;
	_ =	shalt  }
.Lfunc_end2:
_tile_overlayer_lowered:
.L_overlay_start_2:
0x46: {  	(tag) =	ssettag $0x2  }
0x47: {  	s0 =	rddreg [dreg:$0x0];
	s2 =	stileid.u32  }
0x48: {  	s1 =	rddreg [dreg:$0x1];
	p0 =	sne.s32 s2, $0x0  }
0x49: {  	s3 =	rddreg [dreg:$0x2];
	[bflag:$0x3] =	sbarrier.arrive $0xFFFF;
	s2 =	simm.s32 @!p0 $0x1C02  }
0x4a: {  	[timem:s3], [sflag:s2] =	dma.local @!p0 [hbm:s0], s1  }
0x4b: {  	s0 =	simm.s32 @!p0 $0x2  }
0x4c: {  	_ =	swait.ge @!p0 [sflag:s0], s1  }
0x4d: {  	s1 =	ssub.s32 @!p0 $0x0, s1;
	[sflag:s0] =	ssyncset.done @!p0 $0x0  }
0x4e: {  	[sflag:s0] =	ssyncadd.s32 @!p0 s1  }
0x4f: {  	[bflag:$0x3] =	sbarrier.arrive $0xFFFF  }
0x50: {  	_ =	shalt  }

</sc_bundles>
